<compile_context>
chip_gen: v7x
topology: tpu7x:2x2x1
jax: 0.10.2.dev20260603
libtpu: 0.0.44.dev20260713+nightly
codegen_flags: <defaults>
</compile_context>

<pallas_src>
import functools

import jax
import jax.numpy as jnp
from jax import lax
from jax.experimental import pallas as pl
from jax.experimental.pallas import tpu as pltpu
from jax.experimental.pallas import tpu_sc as plsc

_ALPHA = 1000.0
_EPS = 1e-6
_RB = 512
_B = 8
_N = 2048
_CH = 512
_LANES = 16


_IDXMASK = 0x7FF
_VALMASK = ~_IDXMASK
_BIAS = 0x00800000


def _chamfer_tc_body(x1t_ref, x2_ref, out1_ref, exp2_ref, idx2_ref):
    x1t = x1t_ref[0]
    x2 = x2_ref[0]
    n_gt = x2.shape[0]
    n_x = x1t.shape[1]

    aa = jnp.sum(x1t * x1t, axis=0, keepdims=True)
    row_iota = lax.broadcasted_iota(jnp.int32, (_RB, 1), 0)
    ckey = jnp.full((1, n_x), jnp.inf, jnp.float32)
    s1 = jnp.float32(0.0)
    for blk in range(n_gt // _RB):
        x2b = x2[blk * _RB:(blk + 1) * _RB, :]
        bb = jnp.sum(x2b * x2b, axis=1, keepdims=True)
        e = lax.dot_general(x2b * (-2.0), x1t,
                            (((1,), (0,)), ((), ())),
                            preferred_element_type=jnp.float32)
        d = jnp.maximum((e + aa) + bb, 0.0)
        key = lax.bitcast_convert_type(
            (lax.bitcast_convert_type(d, jnp.int32) & _VALMASK)
            + (row_iota + (blk * _RB + _BIAS)), jnp.float32)
        rkey = jnp.min(key, axis=1, keepdims=True)
        d1 = lax.bitcast_convert_type(
            (lax.bitcast_convert_type(rkey, jnp.int32) & _VALMASK) - _BIAS,
            jnp.float32)
        s1 = s1 + jnp.sum(jnp.exp(d1 * (-_ALPHA)))
        ckey = jnp.minimum(ckey, jnp.min(key, axis=0, keepdims=True))

    cb = lax.bitcast_convert_type(ckey, jnp.int32)
    d2 = lax.bitcast_convert_type((cb & _VALMASK) - _BIAS, jnp.float32)
    exp2_ref[...] = jnp.exp(d2 * (-_ALPHA))[None]
    idx2_ref[...] = (cb & _IDXMASK)[None]
    loss1 = 1.0 - s1 / n_gt
    out1_ref[...] = jnp.full((1, 1, 128), loss1, jnp.float32)


def _sc_hist_body(idx_hbm, exp_hbm, out_hbm,
                  idx_m, exp_m, cnt_m, ones_v, zeros_v, acc_v, shared_bins):
    c = lax.axis_index("c")
    s = lax.axis_index("s")
    row_base = (c * 4 + s // 4) * (_N // 128) + (s % 4) * (_CH // 128)
    core_bin_off = (s // 4) * _N

    pltpu.sync_copy(idx_hbm.at[pl.ds(row_base, 4)], idx_m)
    pltpu.sync_copy(exp_hbm.at[pl.ds(row_base, 4)], exp_m)

    for k in range(128 // _LANES):
        ones_v[pl.ds(k * _LANES, _LANES)] = jnp.ones((_LANES,), jnp.float32)
    for k in range(_CH // _LANES):
        zeros_v[pl.ds(k * _LANES, _LANES)] = jnp.zeros((_LANES,), jnp.float32)

    for j in range(4):
        for k in range(128 // _LANES):
            sl = pl.ds(k * _LANES, _LANES)
            idx_m[j, sl] = idx_m[j, sl] + core_bin_off

    pltpu.sync_copy(zeros_v, shared_bins.at[pl.ds(s * _CH, _CH)])
    plsc.subcore_barrier()

    for j in range(4):
        pltpu.sync_copy(ones_v, shared_bins.at[idx_m.at[j]], add=True)
    plsc.subcore_barrier()

    for j in range(4):
        pltpu.sync_copy(shared_bins.at[idx_m.at[j]], cnt_m.at[j])
    acc = jnp.zeros((_LANES,), jnp.float32)
    for j in range(4):
        for k in range(128 // _LANES):
            sl = pl.ds(k * _LANES, _LANES)
            acc = acc + exp_m[j, sl] / (cnt_m[j, sl] + _EPS)
    acc_v[...] = acc
    pltpu.sync_copy(acc_v, out_hbm.at[c * 16 + s])


def _sc_hist():
    mesh = plsc.VectorSubcoreMesh(core_axis_name="c", subcore_axis_name="s")
    return functools.partial(
        pl.kernel,
        mesh=mesh,
        out_type=jax.ShapeDtypeStruct((32, _LANES), jnp.float32),
        scratch_types=[
            pltpu.VMEM((4, 128), jnp.int32),
            pltpu.VMEM((4, 128), jnp.float32),
            pltpu.VMEM((4, 128), jnp.float32),
            pltpu.VMEM((128,), jnp.float32),
            pltpu.VMEM((_CH,), jnp.float32),
            pltpu.VMEM((_LANES,), jnp.float32),
            pltpu.VMEM_SHARED((4 * _N,), jnp.float32),
        ],
    )(_sc_hist_body)


def kernel(xyz1, xyz2):
    B, n_x, _ = xyz1.shape
    n_gt = xyz2.shape[1]
    x1t = jnp.transpose(xyz1, (0, 2, 1))
    out1, exp2, idx2 = pl.pallas_call(
        _chamfer_tc_body,
        grid=(B,),
        in_specs=[
            pl.BlockSpec((1, 3, n_x), lambda b: (b, 0, 0)),
            pl.BlockSpec((1, n_gt, 3), lambda b: (b, 0, 0)),
        ],
        out_specs=[
            pl.BlockSpec((1, 1, 128), lambda b: (b, 0, 0)),
            pl.BlockSpec((1, 1, n_x), lambda b: (b, 0, 0)),
            pl.BlockSpec((1, 1, n_x), lambda b: (b, 0, 0)),
        ],
        out_shape=[
            jax.ShapeDtypeStruct((B, 1, 128), jnp.float32),
            jax.ShapeDtypeStruct((B, 1, n_x), jnp.float32),
            jax.ShapeDtypeStruct((B, 1, n_x), jnp.int32),
        ],
        compiler_params=pltpu.CompilerParams(
            dimension_semantics=("parallel",)),
    )(x1t, xyz2)

    idx_rows = idx2.reshape(B * n_x // 128, 128)
    exp_rows = exp2.reshape(B * n_x // 128, 128)
    part = _sc_hist()(idx_rows, exp_rows)
    s2_b = part.reshape(2, 4, 4, _LANES).sum(axis=(2, 3))
    loss2 = 1.0 - s2_b.reshape(B) / n_x
    loss1 = out1[:, 0, 0]
    return jnp.mean((loss1 + loss2) * 0.5)

# --- scband reference (transcript-rebuilt; emitter-appended) ---
"""Pipeline reference for scband-density-aware-chamfer-distance-65781719105608 (READ-ONLY COPY).

The authoritative reference and input builder live on the scoring server;
editing this copy changes nothing except your own understanding.
"""

import jax, jax.numpy as jnp
import numpy as np
import math


def setup_inputs(seed: int = 0) -> dict:
    key = jax.random.key(seed)
    k1, k2 = jax.random.split(key)
    xyz1 = jax.random.uniform(k1, (8, 2048, 3), dtype=jnp.float32)
    xyz2 = jax.random.uniform(k2, (8, 2048, 3), dtype=jnp.float32)
    return {"xyz1": xyz1, "xyz2": xyz2}


def _sqdist(a, b):
    # a: [B, N, 3], b: [B, M, 3] -> squared euclidean distances [B, N, M]
    aa = jnp.sum(a * a, axis=-1)
    bb = jnp.sum(b * b, axis=-1)
    ab = jnp.einsum('bnd,bmd->bnm', a, b)
    return jnp.maximum(aa[:, :, None] + bb[None if False else slice(None), None, :][0] if False else aa[:, :, None] + bb[:, None, :] - 2.0 * ab, 0.0)


def reference(xyz1, xyz2):
    alpha = 1000.0
    n_lambda = 1.0
    B = xyz1.shape[0]
    n_x = xyz1.shape[1]
    n_gt = xyz2.shape[1]
    frac_21 = n_gt / n_x
    # ChamferFunction.apply(xyz2, xyz1):
    # dist1/idx1: for each point of xyz2, NN in xyz1 -> [B, n_gt]
    # dist2/idx2: for each point of xyz1, NN in xyz2 -> [B, n_x]
    d = _sqdist(xyz2, xyz1)  # [B, n_gt, n_x]
    dist1 = jnp.min(d, axis=2)
    idx1 = jnp.argmin(d, axis=2)
    dist2 = jnp.min(d, axis=1)
    idx2 = jnp.argmin(d, axis=1)
    exp_dist1 = jnp.exp(-dist1 * alpha)
    exp_dist2 = jnp.exp(-dist2 * alpha)
    brow = jnp.arange(B)[:, None]
    # count1 = zeros_like(idx2) [B, n_x]; scatter_add along dim 1 with idx1
    count1 = jnp.zeros((B, n_x), dtype=jnp.int32).at[brow, idx1].add(1)
    weight1 = count1[brow, idx1].astype(jnp.float32) ** n_lambda
    weight1 = jax.lax.stop_gradient(weight1)
    weight1 = 1.0 / jnp.maximum(frac_21 / weight1 + 1e-06, jnp.ones_like(weight1))
    loss1 = jnp.mean(1.0 - exp_dist1 * weight1, axis=1)
    # count2 = zeros_like(idx1) [B, n_gt]; scatter_add along dim 1 with idx2
    count2 = jnp.zeros((B, n_gt), dtype=jnp.int32).at[brow, idx2].add(1)
    weight2 = count2[brow, idx2].astype(jnp.float32) ** n_lambda
    weight2 = jax.lax.stop_gradient(weight2)
    weight2 = 1.0 / (math.ceil(frac_21) * weight2 + 1e-06)
    loss2 = jnp.mean(1.0 - exp_dist2 * weight2, axis=1)
    return jnp.mean((loss1 + loss2) / 2.0)

if __name__ == "__main__":
    import jax
    _d = setup_inputs()
    print(jax.jit(kernel)(*tuple(_d.values())))

</pallas_src>

<mosaic_0001>
#map = affine_map<(d0, d1) -> (0, 0)>
module attributes {stable_mosaic.version = 14 : i64} {
  func.func @_sc_hist_body(%arg0: i32, %arg1: i32, %arg2: memref<128x128xi32, #tpu.memory_space<hbm>>, %arg3: memref<128x128xf32, #tpu.memory_space<hbm>>, %arg4: memref<32x16xf32, #tpu.memory_space<hbm>>, %arg5: memref<4x128xi32, #tpu.memory_space<vmem>>, %arg6: memref<4x128xf32, #tpu.memory_space<vmem>>, %arg7: memref<4x128xf32, #tpu.memory_space<vmem>>, %arg8: memref<128xf32, #tpu.memory_space<vmem>>, %arg9: memref<512xf32, #tpu.memory_space<vmem>>, %arg10: memref<16xf32, #tpu.memory_space<vmem>>, %arg11: memref<8192xf32, #tpu.memory_space<vmem_shared>>) attributes {dimension_semantics = [#tpu.dimension_semantics<core_parallel>, #tpu.dimension_semantics<subcore_parallel>], iteration_bounds = array<i64: 2, 16>, scalar_prefetch = 0 : i64, scratch_operands = 7 : i64, tpu.core_type = #tpu.core_type<sc_vector_subcore>, window_params = [{transform_indices = #map}, {transform_indices = #map}, {transform_indices = #map}]} {
    %mul3A = arith.constant 4 : i32
    %mul3A_0 = arith.muli %arg0, %mul3A : i32
    %jit3A = arith.constant 4 : i32
    %div3A = arith.divsi %arg1, %jit3A : i32
    %sign3A = arith.constant 0 : i32
    %sign3A_1 = arith.cmpi sgt, %arg1, %sign3A : i32
    %sign3A_2 = arith.extui %sign3A_1 : i1 to i32
    %sign3A_3 = arith.constant 0 : i32
    %sign3A_4 = arith.cmpi slt, %arg1, %sign3A_3 : i32
    %sign3A_5 = arith.extui %sign3A_4 : i1 to i32
    %sign3A_6 = arith.subi %sign3A_2, %sign3A_5 : i32
    %sign3A_7 = arith.constant 0 : i32
    %sign3A_8 = arith.cmpi sgt, %jit3A, %sign3A_7 : i32
    %sign3A_9 = arith.extui %sign3A_8 : i1 to i32
    %sign3A_10 = arith.constant 0 : i32
    %sign3A_11 = arith.cmpi slt, %jit3A, %sign3A_10 : i32
    %sign3A_12 = arith.extui %sign3A_11 : i1 to i32
    %sign3A_13 = arith.subi %sign3A_9, %sign3A_12 : i32
    %ne3A = arith.cmpi ne, %sign3A_6, %sign3A_13 : i32
    %rem3A = arith.remsi %arg1, %jit3A : i32
    %ne3A_14 = arith.constant 0 : i32
    %ne3A_15 = arith.cmpi ne, %rem3A, %ne3A_14 : i32
    %and3A = arith.andi %ne3A, %ne3A_15 : i1
    %sub3A = arith.constant 1 : i32
    %sub3A_16 = arith.subi %div3A, %sub3A : i32
    %select_n3A = arith.select %and3A, %sub3A_16, %div3A : i32
    %add3A = arith.addi %mul3A_0, %select_n3A : i32
    %mul3A_17 = arith.constant 16 : i32
    %mul3A_18 = arith.muli %add3A, %mul3A_17 : i32
    %jit3A_19 = arith.constant 4 : i32
    %eq3A = arith.constant 0 : i32
    %eq3A_20 = arith.cmpi eq, %jit3A_19, %eq3A : i32
    %jit3A_21 = arith.constant 1 : i32
    %select_n3A_22 = arith.select %eq3A_20, %jit3A_21, %jit3A_19 : i32
    %rem3A_23 = arith.remsi %arg1, %select_n3A_22 : i32
    %ne3A_24 = arith.constant 0 : i32
    %ne3A_25 = arith.cmpi ne, %rem3A_23, %ne3A_24 : i32
    %lt3A = arith.constant 0 : i32
    %lt3A_26 = arith.cmpi slt, %rem3A_23, %lt3A : i32
    %lt3A_27 = arith.constant 0 : i32
    %lt3A_28 = arith.cmpi slt, %select_n3A_22, %lt3A_27 : i32
    %ne3A_29 = arith.xori %lt3A_26, %lt3A_28 : i1
    %and3A_30 = arith.andi %ne3A_29, %ne3A_25 : i1
    %add3A_31 = arith.addi %rem3A_23, %select_n3A_22 : i32
    %select_n3A_32 = arith.select %and3A_30, %add3A_31, %rem3A_23 : i32
    %mul3A_33 = arith.constant 4 : i32
    %mul3A_34 = arith.muli %select_n3A_32, %mul3A_33 : i32
    %add3A_35 = arith.addi %mul3A_18, %mul3A_34 : i32
    %jit3A_36 = arith.constant 4 : i32
    %div3A_37 = arith.divsi %arg1, %jit3A_36 : i32
    %sign3A_38 = arith.constant 0 : i32
    %sign3A_39 = arith.cmpi sgt, %arg1, %sign3A_38 : i32
    %sign3A_40 = arith.extui %sign3A_39 : i1 to i32
    %sign3A_41 = arith.constant 0 : i32
    %sign3A_42 = arith.cmpi slt, %arg1, %sign3A_41 : i32
    %sign3A_43 = arith.extui %sign3A_42 : i1 to i32
    %sign3A_44 = arith.subi %sign3A_40, %sign3A_43 : i32
    %sign3A_45 = arith.constant 0 : i32
    %sign3A_46 = arith.cmpi sgt, %jit3A_36, %sign3A_45 : i32
    %sign3A_47 = arith.extui %sign3A_46 : i1 to i32
    %sign3A_48 = arith.constant 0 : i32
    %sign3A_49 = arith.cmpi slt, %jit3A_36, %sign3A_48 : i32
    %sign3A_50 = arith.extui %sign3A_49 : i1 to i32
    %sign3A_51 = arith.subi %sign3A_47, %sign3A_50 : i32
    %ne3A_52 = arith.cmpi ne, %sign3A_44, %sign3A_51 : i32
    %rem3A_53 = arith.remsi %arg1, %jit3A_36 : i32
    %ne3A_54 = arith.constant 0 : i32
    %ne3A_55 = arith.cmpi ne, %rem3A_53, %ne3A_54 : i32
    %and3A_56 = arith.andi %ne3A_52, %ne3A_55 : i1
    %sub3A_57 = arith.constant 1 : i32
    %sub3A_58 = arith.subi %div3A_37, %sub3A_57 : i32
    %select_n3A_59 = arith.select %and3A_56, %sub3A_58, %div3A_37 : i32
    %mul3A_60 = arith.constant 2048 : i32
    %mul3A_61 = arith.muli %select_n3A_59, %mul3A_60 : i32
    "tpu.region"() ({
      %run_scoped3A_1218 = tpu.sem_alloc : memref<!tpu.dma_semaphore, #tpu.memory_space<semaphore_mem>>
      %dma_start3A = arith.constant 0 : i32
      %dma_start3A_1219 = tpu.memref_slice %arg2[%add3A_35, %dma_start3A] : memref<128x128xi32, #tpu.memory_space<hbm>> -> memref<4x128xi32, #tpu.memory_space<hbm>>
      %dma_start3A_1220 = arith.constant 0 : i32
      %dma_start3A_1221 = tpu.memref_slice %arg2[%add3A_35, %dma_start3A_1220] : memref<128x128xi32, #tpu.memory_space<hbm>> -> memref<4x128xi32, #tpu.memory_space<hbm>>
      tpu.enqueue_dma source(%dma_start3A_1221 : memref<4x128xi32, #tpu.memory_space<hbm>>) target(%arg5 : memref<4x128xi32, #tpu.memory_space<vmem>>) target_semaphore(%run_scoped3A_1218 : memref<!tpu.dma_semaphore, #tpu.memory_space<semaphore_mem>>)
      %dma_wait3A = arith.constant 0 : i32
      %dma_wait3A_1222 = tpu.memref_slice %arg2[%add3A_35, %dma_wait3A] : memref<128x128xi32, #tpu.memory_space<hbm>> -> memref<4x128xi32, #tpu.memory_space<hbm>>
      %dma_wait3A_1223 = arith.constant 0 : i32
      %dma_wait3A_1224 = tpu.memref_slice %arg2[%add3A_35, %dma_wait3A_1223] : memref<128x128xi32, #tpu.memory_space<hbm>> -> memref<4x128xi32, #tpu.memory_space<hbm>>
      tpu.wait_dma2 semaphore(%run_scoped3A_1218 : memref<!tpu.dma_semaphore, #tpu.memory_space<semaphore_mem>>) src(%dma_wait3A_1224 : memref<4x128xi32, #tpu.memory_space<hbm>>) dst(%arg5 : memref<4x128xi32, #tpu.memory_space<vmem>>)
      tpu.yield
    }) : () -> ()
    "tpu.region"() ({
      %run_scoped3A_1218 = tpu.sem_alloc : memref<!tpu.dma_semaphore, #tpu.memory_space<semaphore_mem>>
      %dma_start3A = arith.constant 0 : i32
      %dma_start3A_1219 = tpu.memref_slice %arg3[%add3A_35, %dma_start3A] : memref<128x128xf32, #tpu.memory_space<hbm>> -> memref<4x128xf32, #tpu.memory_space<hbm>>
      %dma_start3A_1220 = arith.constant 0 : i32
      %dma_start3A_1221 = tpu.memref_slice %arg3[%add3A_35, %dma_start3A_1220] : memref<128x128xf32, #tpu.memory_space<hbm>> -> memref<4x128xf32, #tpu.memory_space<hbm>>
      tpu.enqueue_dma source(%dma_start3A_1221 : memref<4x128xf32, #tpu.memory_space<hbm>>) target(%arg6 : memref<4x128xf32, #tpu.memory_space<vmem>>) target_semaphore(%run_scoped3A_1218 : memref<!tpu.dma_semaphore, #tpu.memory_space<semaphore_mem>>)
      %dma_wait3A = arith.constant 0 : i32
      %dma_wait3A_1222 = tpu.memref_slice %arg3[%add3A_35, %dma_wait3A] : memref<128x128xf32, #tpu.memory_space<hbm>> -> memref<4x128xf32, #tpu.memory_space<hbm>>
      %dma_wait3A_1223 = arith.constant 0 : i32
      %dma_wait3A_1224 = tpu.memref_slice %arg3[%add3A_35, %dma_wait3A_1223] : memref<128x128xf32, #tpu.memory_space<hbm>> -> memref<4x128xf32, #tpu.memory_space<hbm>>
      tpu.wait_dma2 semaphore(%run_scoped3A_1218 : memref<!tpu.dma_semaphore, #tpu.memory_space<semaphore_mem>>) src(%dma_wait3A_1224 : memref<4x128xf32, #tpu.memory_space<hbm>>) dst(%arg6 : memref<4x128xf32, #tpu.memory_space<vmem>>)
      tpu.yield
    }) : () -> ()
    %broadcast_in_dim3A = arith.constant 1.000000e+00 : f32
    %broadcast_in_dim3A_62 = vector.broadcast %broadcast_in_dim3A : f32 to vector<16xf32>
    %swap3A = arith.constant 0 : index
    %swap3A_63 = tpu.vector_load %arg8[%swap3A] {strides = array<i32>} : memref<128xf32, #tpu.memory_space<vmem>>, vector<16xf32>,
    %swap3A_64 = vector.shape_cast %swap3A_63 : vector<16xf32> to vector<16xf32>
    %swap3A_65 = vector.shape_cast %broadcast_in_dim3A_62 : vector<16xf32> to vector<16xf32>
    tpu.vector_store %arg8[%swap3A], %swap3A_65 {strides = array<i32>} : memref<128xf32, #tpu.memory_space<vmem>>, vector<16xf32>,
    %broadcast_in_dim3A_66 = arith.constant 1.000000e+00 : f32
    %broadcast_in_dim3A_67 = vector.broadcast %broadcast_in_dim3A_66 : f32 to vector<16xf32>
    %swap3A_68 = arith.constant 16 : index
    %swap3A_69 = tpu.vector_load %arg8[%swap3A_68] {strides = array<i32>} : memref<128xf32, #tpu.memory_space<vmem>>, vector<16xf32>,
    %swap3A_70 = vector.shape_cast %swap3A_69 : vector<16xf32> to vector<16xf32>
    %swap3A_71 = vector.shape_cast %broadcast_in_dim3A_67 : vector<16xf32> to vector<16xf32>
    tpu.vector_store %arg8[%swap3A_68], %swap3A_71 {strides = array<i32>} : memref<128xf32, #tpu.memory_space<vmem>>, vector<16xf32>,
    %broadcast_in_dim3A_72 = arith.constant 1.000000e+00 : f32
    %broadcast_in_dim3A_73 = vector.broadcast %broadcast_in_dim3A_72 : f32 to vector<16xf32>
    %swap3A_74 = arith.constant 32 : index
    %swap3A_75 = tpu.vector_load %arg8[%swap3A_74] {strides = array<i32>} : memref<128xf32, #tpu.memory_space<vmem>>, vector<16xf32>,
    %swap3A_76 = vector.shape_cast %swap3A_75 : vector<16xf32> to vector<16xf32>
    %swap3A_77 = vector.shape_cast %broadcast_in_dim3A_73 : vector<16xf32> to vector<16xf32>
    tpu.vector_store %arg8[%swap3A_74], %swap3A_77 {strides = array<i32>} : memref<128xf32, #tpu.memory_space<vmem>>, vector<16xf32>,
    %broadcast_in_dim3A_78 = arith.constant 1.000000e+00 : f32
    %broadcast_in_dim3A_79 = vector.broadcast %broadcast_in_dim3A_78 : f32 to vector<16xf32>
    %swap3A_80 = arith.constant 48 : index
    %swap3A_81 = tpu.vector_load %arg8[%swap3A_80] {strides = array<i32>} : memref<128xf32, #tpu.memory_space<vmem>>, vector<16xf32>,
    %swap3A_82 = vector.shape_cast %swap3A_81 : vector<16xf32> to vector<16xf32>
    %swap3A_83 = vector.shape_cast %broadcast_in_dim3A_79 : vector<16xf32> to vector<16xf32>
    tpu.vector_store %arg8[%swap3A_80], %swap3A_83 {strides = array<i32>} : memref<128xf32, #tpu.memory_space<vmem>>, vector<16xf32>,
    %broadcast_in_dim3A_84 = arith.constant 1.000000e+00 : f32
    %broadcast_in_dim3A_85 = vector.broadcast %broadcast_in_dim3A_84 : f32 to vector<16xf32>
    %swap3A_86 = arith.constant 64 : index
    %swap3A_87 = tpu.vector_load %arg8[%swap3A_86] {strides = array<i32>} : memref<128xf32, #tpu.memory_space<vmem>>, vector<16xf32>,
    %swap3A_88 = vector.shape_cast %swap3A_87 : vector<16xf32> to vector<16xf32>
    %swap3A_89 = vector.shape_cast %broadcast_in_dim3A_85 : vector<16xf32> to vector<16xf32>
    tpu.vector_store %arg8[%swap3A_86], %swap3A_89 {strides = array<i32>} : memref<128xf32, #tpu.memory_space<vmem>>, vector<16xf32>,
    %broadcast_in_dim3A_90 = arith.constant 1.000000e+00 : f32
    %broadcast_in_dim3A_91 = vector.broadcast %broadcast_in_dim3A_90 : f32 to vector<16xf32>
    %swap3A_92 = arith.constant 80 : index
    %swap3A_93 = tpu.vector_load %arg8[%swap3A_92] {strides = array<i32>} : memref<128xf32, #tpu.memory_space<vmem>>, vector<16xf32>,
    %swap3A_94 = vector.shape_cast %swap3A_93 : vector<16xf32> to vector<16xf32>
    %swap3A_95 = vector.shape_cast %broadcast_in_dim3A_91 : vector<16xf32> to vector<16xf32>
    tpu.vector_store %arg8[%swap3A_92], %swap3A_95 {strides = array<i32>} : memref<128xf32, #tpu.memory_space<vmem>>, vector<16xf32>,
    %broadcast_in_dim3A_96 = arith.constant 1.000000e+00 : f32
    %broadcast_in_dim3A_97 = vector.broadcast %broadcast_in_dim3A_96 : f32 to vector<16xf32>
    %swap3A_98 = arith.constant 96 : index
    %swap3A_99 = tpu.vector_load %arg8[%swap3A_98] {strides = array<i32>} : memref<128xf32, #tpu.memory_space<vmem>>, vector<16xf32>,
    %swap3A_100 = vector.shape_cast %swap3A_99 : vector<16xf32> to vector<16xf32>
    %swap3A_101 = vector.shape_cast %broadcast_in_dim3A_97 : vector<16xf32> to vector<16xf32>
    tpu.vector_store %arg8[%swap3A_98], %swap3A_101 {strides = array<i32>} : memref<128xf32, #tpu.memory_space<vmem>>, vector<16xf32>,
    %broadcast_in_dim3A_102 = arith.constant 1.000000e+00 : f32
    %broadcast_in_dim3A_103 = vector.broadcast %broadcast_in_dim3A_102 : f32 to vector<16xf32>
    %swap3A_104 = arith.constant 112 : index
    %swap3A_105 = tpu.vector_load %arg8[%swap3A_104] {strides = array<i32>} : memref<128xf32, #tpu.memory_space<vmem>>, vector<16xf32>,
    %swap3A_106 = vector.shape_cast %swap3A_105 : vector<16xf32> to vector<16xf32>
    %swap3A_107 = vector.shape_cast %broadcast_in_dim3A_103 : vector<16xf32> to vector<16xf32>
    tpu.vector_store %arg8[%swap3A_104], %swap3A_107 {strides = array<i32>} : memref<128xf32, #tpu.memory_space<vmem>>, vector<16xf32>,
    %broadcast_in_dim3A_108 = arith.constant 0.000000e+00 : f32
    %broadcast_in_dim3A_109 = vector.broadcast %broadcast_in_dim3A_108 : f32 to vector<16xf32>
    %swap3A_110 = arith.constant 0 : index
    %swap3A_111 = tpu.vector_load %arg9[%swap3A_110] {strides = array<i32>} : memref<512xf32, #tpu.memory_space<vmem>>, vector<16xf32>,
    %swap3A_112 = vector.shape_cast %swap3A_111 : vector<16xf32> to vector<16xf32>
    %swap3A_113 = vector.shape_cast %broadcast_in_dim3A_109 : vector<16xf32> to vector<16xf32>
    tpu.vector_store %arg9[%swap3A_110], %swap3A_113 {strides = array<i32>} : memref<512xf32, #tpu.memory_space<vmem>>, vector<16xf32>,
    %broadcast_in_dim3A_114 = arith.constant 0.000000e+00 : f32
    %broadcast_in_dim3A_115 = vector.broadcast %broadcast_in_dim3A_114 : f32 to vector<16xf32>
    %swap3A_116 = arith.constant 16 : index
    %swap3A_117 = tpu.vector_load %arg9[%swap3A_116] {strides = array<i32>} : memref<512xf32, #tpu.memory_space<vmem>>, vector<16xf32>,
    %swap3A_118 = vector.shape_cast %swap3A_117 : vector<16xf32> to vector<16xf32>
    %swap3A_119 = vector.shape_cast %broadcast_in_dim3A_115 : vector<16xf32> to vector<16xf32>
    tpu.vector_store %arg9[%swap3A_116], %swap3A_119 {strides = array<i32>} : memref<512xf32, #tpu.memory_space<vmem>>, vector<16xf32>,
    %broadcast_in_dim3A_120 = arith.constant 0.000000e+00 : f32
    %broadcast_in_dim3A_121 = vector.broadcast %broadcast_in_dim3A_120 : f32 to vector<16xf32>
    %swap3A_122 = arith.constant 32 : index
    %swap3A_123 = tpu.vector_load %arg9[%swap3A_122] {strides = array<i32>} : memref<512xf32, #tpu.memory_space<vmem>>, vector<16xf32>,
    %swap3A_124 = vector.shape_cast %swap3A_123 : vector<16xf32> to vector<16xf32>
    %swap3A_125 = vector.shape_cast %broadcast_in_dim3A_121 : vector<16xf32> to vector<16xf32>
    tpu.vector_store %arg9[%swap3A_122], %swap3A_125 {strides = array<i32>} : memref<512xf32, #tpu.memory_space<vmem>>, vector<16xf32>,
    %broadcast_in_dim3A_126 = arith.constant 0.000000e+00 : f32
    %broadcast_in_dim3A_127 = vector.broadcast %broadcast_in_dim3A_126 : f32 to vector<16xf32>
    %swap3A_128 = arith.constant 48 : index
    %swap3A_129 = tpu.vector_load %arg9[%swap3A_128] {strides = array<i32>} : memref<512xf32, #tpu.memory_space<vmem>>, vector<16xf32>,
    %swap3A_130 = vector.shape_cast %swap3A_129 : vector<16xf32> to vector<16xf32>
    %swap3A_131 = vector.shape_cast %broadcast_in_dim3A_127 : vector<16xf32> to vector<16xf32>
    tpu.vector_store %arg9[%swap3A_128], %swap3A_131 {strides = array<i32>} : memref<512xf32, #tpu.memory_space<vmem>>, vector<16xf32>,
    %broadcast_in_dim3A_132 = arith.constant 0.000000e+00 : f32
    %broadcast_in_dim3A_133 = vector.broadcast %broadcast_in_dim3A_132 : f32 to vector<16xf32>
    %swap3A_134 = arith.constant 64 : index
    %swap3A_135 = tpu.vector_load %arg9[%swap3A_134] {strides = array<i32>} : memref<512xf32, #tpu.memory_space<vmem>>, vector<16xf32>,
    %swap3A_136 = vector.shape_cast %swap3A_135 : vector<16xf32> to vector<16xf32>
    %swap3A_137 = vector.shape_cast %broadcast_in_dim3A_133 : vector<16xf32> to vector<16xf32>
    tpu.vector_store %arg9[%swap3A_134], %swap3A_137 {strides = array<i32>} : memref<512xf32, #tpu.memory_space<vmem>>, vector<16xf32>,
    %broadcast_in_dim3A_138 = arith.constant 0.000000e+00 : f32
    %broadcast_in_dim3A_139 = vector.broadcast %broadcast_in_dim3A_138 : f32 to vector<16xf32>
    %swap3A_140 = arith.constant 80 : index
    %swap3A_141 = tpu.vector_load %arg9[%swap3A_140] {strides = array<i32>} : memref<512xf32, #tpu.memory_space<vmem>>, vector<16xf32>,
    %swap3A_142 = vector.shape_cast %swap3A_141 : vector<16xf32> to vector<16xf32>
    %swap3A_143 = vector.shape_cast %broadcast_in_dim3A_139 : vector<16xf32> to vector<16xf32>
    tpu.vector_store %arg9[%swap3A_140], %swap3A_143 {strides = array<i32>} : memref<512xf32, #tpu.memory_space<vmem>>, vector<16xf32>,
    %broadcast_in_dim3A_144 = arith.constant 0.000000e+00 : f32
    %broadcast_in_dim3A_145 = vector.broadcast %broadcast_in_dim3A_144 : f32 to vector<16xf32>
    %swap3A_146 = arith.constant 96 : index
    %swap3A_147 = tpu.vector_load %arg9[%swap3A_146] {strides = array<i32>} : memref<512xf32, #tpu.memory_space<vmem>>, vector<16xf32>,
    %swap3A_148 = vector.shape_cast %swap3A_147 : vector<16xf32> to vector<16xf32>
    %swap3A_149 = vector.shape_cast %broadcast_in_dim3A_145 : vector<16xf32> to vector<16xf32>
    tpu.vector_store %arg9[%swap3A_146], %swap3A_149 {strides = array<i32>} : memref<512xf32, #tpu.memory_space<vmem>>, vector<16xf32>,
    %broadcast_in_dim3A_150 = arith.constant 0.000000e+00 : f32
    %broadcast_in_dim3A_151 = vector.broadcast %broadcast_in_dim3A_150 : f32 to vector<16xf32>
    %swap3A_152 = arith.constant 112 : index
    %swap3A_153 = tpu.vector_load %arg9[%swap3A_152] {strides = array<i32>} : memref<512xf32, #tpu.memory_space<vmem>>, vector<16xf32>,
    %swap3A_154 = vector.shape_cast %swap3A_153 : vector<16xf32> to vector<16xf32>
    %swap3A_155 = vector.shape_cast %broadcast_in_dim3A_151 : vector<16xf32> to vector<16xf32>
    tpu.vector_store %arg9[%swap3A_152], %swap3A_155 {strides = array<i32>} : memref<512xf32, #tpu.memory_space<vmem>>, vector<16xf32>,
    %broadcast_in_dim3A_156 = arith.constant 0.000000e+00 : f32
    %broadcast_in_dim3A_157 = vector.broadcast %broadcast_in_dim3A_156 : f32 to vector<16xf32>
    %swap3A_158 = arith.constant 128 : index
    %swap3A_159 = tpu.vector_load %arg9[%swap3A_158] {strides = array<i32>} : memref<512xf32, #tpu.memory_space<vmem>>, vector<16xf32>,
    %swap3A_160 = vector.shape_cast %swap3A_159 : vector<16xf32> to vector<16xf32>
    %swap3A_161 = vector.shape_cast %broadcast_in_dim3A_157 : vector<16xf32> to vector<16xf32>
    tpu.vector_store %arg9[%swap3A_158], %swap3A_161 {strides = array<i32>} : memref<512xf32, #tpu.memory_space<vmem>>, vector<16xf32>,
    %broadcast_in_dim3A_162 = arith.constant 0.000000e+00 : f32
    %broadcast_in_dim3A_163 = vector.broadcast %broadcast_in_dim3A_162 : f32 to vector<16xf32>
    %swap3A_164 = arith.constant 144 : index
    %swap3A_165 = tpu.vector_load %arg9[%swap3A_164] {strides = array<i32>} : memref<512xf32, #tpu.memory_space<vmem>>, vector<16xf32>,
    %swap3A_166 = vector.shape_cast %swap3A_165 : vector<16xf32> to vector<16xf32>
    %swap3A_167 = vector.shape_cast %broadcast_in_dim3A_163 : vector<16xf32> to vector<16xf32>
    tpu.vector_store %arg9[%swap3A_164], %swap3A_167 {strides = array<i32>} : memref<512xf32, #tpu.memory_space<vmem>>, vector<16xf32>,
    %broadcast_in_dim3A_168 = arith.constant 0.000000e+00 : f32
    %broadcast_in_dim3A_169 = vector.broadcast %broadcast_in_dim3A_168 : f32 to vector<16xf32>
    %swap3A_170 = arith.constant 160 : index
    %swap3A_171 = tpu.vector_load %arg9[%swap3A_170] {strides = array<i32>} : memref<512xf32, #tpu.memory_space<vmem>>, vector<16xf32>,
    %swap3A_172 = vector.shape_cast %swap3A_171 : vector<16xf32> to vector<16xf32>
    %swap3A_173 = vector.shape_cast %broadcast_in_dim3A_169 : vector<16xf32> to vector<16xf32>
    tpu.vector_store %arg9[%swap3A_170], %swap3A_173 {strides = array<i32>} : memref<512xf32, #tpu.memory_space<vmem>>, vector<16xf32>,
    %broadcast_in_dim3A_174 = arith.constant 0.000000e+00 : f32
    %broadcast_in_dim3A_175 = vector.broadcast %broadcast_in_dim3A_174 : f32 to vector<16xf32>
    %swap3A_176 = arith.constant 176 : index
    %swap3A_177 = tpu.vector_load %arg9[%swap3A_176] {strides = array<i32>} : memref<512xf32, #tpu.memory_space<vmem>>, vector<16xf32>,
    %swap3A_178 = vector.shape_cast %swap3A_177 : vector<16xf32> to vector<16xf32>
    %swap3A_179 = vector.shape_cast %broadcast_in_dim3A_175 : vector<16xf32> to vector<16xf32>
    tpu.vector_store %arg9[%swap3A_176], %swap3A_179 {strides = array<i32>} : memref<512xf32, #tpu.memory_space<vmem>>, vector<16xf32>,
    %broadcast_in_dim3A_180 = arith.constant 0.000000e+00 : f32
    %broadcast_in_dim3A_181 = vector.broadcast %broadcast_in_dim3A_180 : f32 to vector<16xf32>
    %swap3A_182 = arith.constant 192 : index
    %swap3A_183 = tpu.vector_load %arg9[%swap3A_182] {strides = array<i32>} : memref<512xf32, #tpu.memory_space<vmem>>, vector<16xf32>,
    %swap3A_184 = vector.shape_cast %swap3A_183 : vector<16xf32> to vector<16xf32>
    %swap3A_185 = vector.shape_cast %broadcast_in_dim3A_181 : vector<16xf32> to vector<16xf32>
    tpu.vector_store %arg9[%swap3A_182], %swap3A_185 {strides = array<i32>} : memref<512xf32, #tpu.memory_space<vmem>>, vector<16xf32>,
    %broadcast_in_dim3A_186 = arith.constant 0.000000e+00 : f32
    %broadcast_in_dim3A_187 = vector.broadcast %broadcast_in_dim3A_186 : f32 to vector<16xf32>
    %swap3A_188 = arith.constant 208 : index
    %swap3A_189 = tpu.vector_load %arg9[%swap3A_188] {strides = array<i32>} : memref<512xf32, #tpu.memory_space<vmem>>, vector<16xf32>,
    %swap3A_190 = vector.shape_cast %swap3A_189 : vector<16xf32> to vector<16xf32>
    %swap3A_191 = vector.shape_cast %broadcast_in_dim3A_187 : vector<16xf32> to vector<16xf32>
    tpu.vector_store %arg9[%swap3A_188], %swap3A_191 {strides = array<i32>} : memref<512xf32, #tpu.memory_space<vmem>>, vector<16xf32>,
    %broadcast_in_dim3A_192 = arith.constant 0.000000e+00 : f32
    %broadcast_in_dim3A_193 = vector.broadcast %broadcast_in_dim3A_192 : f32 to vector<16xf32>
    %swap3A_194 = arith.constant 224 : index
    %swap3A_195 = tpu.vector_load %arg9[%swap3A_194] {strides = array<i32>} : memref<512xf32, #tpu.memory_space<vmem>>, vector<16xf32>,
    %swap3A_196 = vector.shape_cast %swap3A_195 : vector<16xf32> to vector<16xf32>
    %swap3A_197 = vector.shape_cast %broadcast_in_dim3A_193 : vector<16xf32> to vector<16xf32>
    tpu.vector_store %arg9[%swap3A_194], %swap3A_197 {strides = array<i32>} : memref<512xf32, #tpu.memory_space<vmem>>, vector<16xf32>,
    %broadcast_in_dim3A_198 = arith.constant 0.000000e+00 : f32
    %broadcast_in_dim3A_199 = vector.broadcast %broadcast_in_dim3A_198 : f32 to vector<16xf32>
    %swap3A_200 = arith.constant 240 : index
    %swap3A_201 = tpu.vector_load %arg9[%swap3A_200] {strides = array<i32>} : memref<512xf32, #tpu.memory_space<vmem>>, vector<16xf32>,
    %swap3A_202 = vector.shape_cast %swap3A_201 : vector<16xf32> to vector<16xf32>
    %swap3A_203 = vector.shape_cast %broadcast_in_dim3A_199 : vector<16xf32> to vector<16xf32>
    tpu.vector_store %arg9[%swap3A_200], %swap3A_203 {strides = array<i32>} : memref<512xf32, #tpu.memory_space<vmem>>, vector<16xf32>,
    %broadcast_in_dim3A_204 = arith.constant 0.000000e+00 : f32
    %broadcast_in_dim3A_205 = vector.broadcast %broadcast_in_dim3A_204 : f32 to vector<16xf32>
    %swap3A_206 = arith.constant 256 : index
    %swap3A_207 = tpu.vector_load %arg9[%swap3A_206] {strides = array<i32>} : memref<512xf32, #tpu.memory_space<vmem>>, vector<16xf32>,
    %swap3A_208 = vector.shape_cast %swap3A_207 : vector<16xf32> to vector<16xf32>
    %swap3A_209 = vector.shape_cast %broadcast_in_dim3A_205 : vector<16xf32> to vector<16xf32>
    tpu.vector_store %arg9[%swap3A_206], %swap3A_209 {strides = array<i32>} : memref<512xf32, #tpu.memory_space<vmem>>, vector<16xf32>,
    %broadcast_in_dim3A_210 = arith.constant 0.000000e+00 : f32
    %broadcast_in_dim3A_211 = vector.broadcast %broadcast_in_dim3A_210 : f32 to vector<16xf32>
    %swap3A_212 = arith.constant 272 : index
    %swap3A_213 = tpu.vector_load %arg9[%swap3A_212] {strides = array<i32>} : memref<512xf32, #tpu.memory_space<vmem>>, vector<16xf32>,
    %swap3A_214 = vector.shape_cast %swap3A_213 : vector<16xf32> to vector<16xf32>
    %swap3A_215 = vector.shape_cast %broadcast_in_dim3A_211 : vector<16xf32> to vector<16xf32>
    tpu.vector_store %arg9[%swap3A_212], %swap3A_215 {strides = array<i32>} : memref<512xf32, #tpu.memory_space<vmem>>, vector<16xf32>,
    %broadcast_in_dim3A_216 = arith.constant 0.000000e+00 : f32
    %broadcast_in_dim3A_217 = vector.broadcast %broadcast_in_dim3A_216 : f32 to vector<16xf32>
    %swap3A_218 = arith.constant 288 : index
    %swap3A_219 = tpu.vector_load %arg9[%swap3A_218] {strides = array<i32>} : memref<512xf32, #tpu.memory_space<vmem>>, vector<16xf32>,
    %swap3A_220 = vector.shape_cast %swap3A_219 : vector<16xf32> to vector<16xf32>
    %swap3A_221 = vector.shape_cast %broadcast_in_dim3A_217 : vector<16xf32> to vector<16xf32>
    tpu.vector_store %arg9[%swap3A_218], %swap3A_221 {strides = array<i32>} : memref<512xf32, #tpu.memory_space<vmem>>, vector<16xf32>,
    %broadcast_in_dim3A_222 = arith.constant 0.000000e+00 : f32
    %broadcast_in_dim3A_223 = vector.broadcast %broadcast_in_dim3A_222 : f32 to vector<16xf32>
    %swap3A_224 = arith.constant 304 : index
    %swap3A_225 = tpu.vector_load %arg9[%swap3A_224] {strides = array<i32>} : memref<512xf32, #tpu.memory_space<vmem>>, vector<16xf32>,
    %swap3A_226 = vector.shape_cast %swap3A_225 : vector<16xf32> to vector<16xf32>
    %swap3A_227 = vector.shape_cast %broadcast_in_dim3A_223 : vector<16xf32> to vector<16xf32>
    tpu.vector_store %arg9[%swap3A_224], %swap3A_227 {strides = array<i32>} : memref<512xf32, #tpu.memory_space<vmem>>, vector<16xf32>,
    %broadcast_in_dim3A_228 = arith.constant 0.000000e+00 : f32
    %broadcast_in_dim3A_229 = vector.broadcast %broadcast_in_dim3A_228 : f32 to vector<16xf32>
    %swap3A_230 = arith.constant 320 : index
    %swap3A_231 = tpu.vector_load %arg9[%swap3A_230] {strides = array<i32>} : memref<512xf32, #tpu.memory_space<vmem>>, vector<16xf32>,
    %swap3A_232 = vector.shape_cast %swap3A_231 : vector<16xf32> to vector<16xf32>
    %swap3A_233 = vector.shape_cast %broadcast_in_dim3A_229 : vector<16xf32> to vector<16xf32>
    tpu.vector_store %arg9[%swap3A_230], %swap3A_233 {strides = array<i32>} : memref<512xf32, #tpu.memory_space<vmem>>, vector<16xf32>,
    %broadcast_in_dim3A_234 = arith.constant 0.000000e+00 : f32
    %broadcast_in_dim3A_235 = vector.broadcast %broadcast_in_dim3A_234 : f32 to vector<16xf32>
    %swap3A_236 = arith.constant 336 : index
    %swap3A_237 = tpu.vector_load %arg9[%swap3A_236] {strides = array<i32>} : memref<512xf32, #tpu.memory_space<vmem>>, vector<16xf32>,
    %swap3A_238 = vector.shape_cast %swap3A_237 : vector<16xf32> to vector<16xf32>
    %swap3A_239 = vector.shape_cast %broadcast_in_dim3A_235 : vector<16xf32> to vector<16xf32>
    tpu.vector_store %arg9[%swap3A_236], %swap3A_239 {strides = array<i32>} : memref<512xf32, #tpu.memory_space<vmem>>, vector<16xf32>,
    %broadcast_in_dim3A_240 = arith.constant 0.000000e+00 : f32
    %broadcast_in_dim3A_241 = vector.broadcast %broadcast_in_dim3A_240 : f32 to vector<16xf32>
    %swap3A_242 = arith.constant 352 : index
    %swap3A_243 = tpu.vector_load %arg9[%swap3A_242] {strides = array<i32>} : memref<512xf32, #tpu.memory_space<vmem>>, vector<16xf32>,
    %swap3A_244 = vector.shape_cast %swap3A_243 : vector<16xf32> to vector<16xf32>
    %swap3A_245 = vector.shape_cast %broadcast_in_dim3A_241 : vector<16xf32> to vector<16xf32>
    tpu.vector_store %arg9[%swap3A_242], %swap3A_245 {strides = array<i32>} : memref<512xf32, #tpu.memory_space<vmem>>, vector<16xf32>,
    %broadcast_in_dim3A_246 = arith.constant 0.000000e+00 : f32
    %broadcast_in_dim3A_247 = vector.broadcast %broadcast_in_dim3A_246 : f32 to vector<16xf32>
    %swap3A_248 = arith.constant 368 : index
    %swap3A_249 = tpu.vector_load %arg9[%swap3A_248] {strides = array<i32>} : memref<512xf32, #tpu.memory_space<vmem>>, vector<16xf32>,
    %swap3A_250 = vector.shape_cast %swap3A_249 : vector<16xf32> to vector<16xf32>
    %swap3A_251 = vector.shape_cast %broadcast_in_dim3A_247 : vector<16xf32> to vector<16xf32>
    tpu.vector_store %arg9[%swap3A_248], %swap3A_251 {strides = array<i32>} : memref<512xf32, #tpu.memory_space<vmem>>, vector<16xf32>,
    %broadcast_in_dim3A_252 = arith.constant 0.000000e+00 : f32
    %broadcast_in_dim3A_253 = vector.broadcast %broadcast_in_dim3A_252 : f32 to vector<16xf32>
    %swap3A_254 = arith.constant 384 : index
    %swap3A_255 = tpu.vector_load %arg9[%swap3A_254] {strides = array<i32>} : memref<512xf32, #tpu.memory_space<vmem>>, vector<16xf32>,
    %swap3A_256 = vector.shape_cast %swap3A_255 : vector<16xf32> to vector<16xf32>
    %swap3A_257 = vector.shape_cast %broadcast_in_dim3A_253 : vector<16xf32> to vector<16xf32>
    tpu.vector_store %arg9[%swap3A_254], %swap3A_257 {strides = array<i32>} : memref<512xf32, #tpu.memory_space<vmem>>, vector<16xf32>,
    %broadcast_in_dim3A_258 = arith.constant 0.000000e+00 : f32
    %broadcast_in_dim3A_259 = vector.broadcast %broadcast_in_dim3A_258 : f32 to vector<16xf32>
    %swap3A_260 = arith.constant 400 : index
    %swap3A_261 = tpu.vector_load %arg9[%swap3A_260] {strides = array<i32>} : memref<512xf32, #tpu.memory_space<vmem>>, vector<16xf32>,
    %swap3A_262 = vector.shape_cast %swap3A_261 : vector<16xf32> to vector<16xf32>
    %swap3A_263 = vector.shape_cast %broadcast_in_dim3A_259 : vector<16xf32> to vector<16xf32>
    tpu.vector_store %arg9[%swap3A_260], %swap3A_263 {strides = array<i32>} : memref<512xf32, #tpu.memory_space<vmem>>, vector<16xf32>,
    %broadcast_in_dim3A_264 = arith.constant 0.000000e+00 : f32
    %broadcast_in_dim3A_265 = vector.broadcast %broadcast_in_dim3A_264 : f32 to vector<16xf32>
    %swap3A_266 = arith.constant 416 : index
    %swap3A_267 = tpu.vector_load %arg9[%swap3A_266] {strides = array<i32>} : memref<512xf32, #tpu.memory_space<vmem>>, vector<16xf32>,
    %swap3A_268 = vector.shape_cast %swap3A_267 : vector<16xf32> to vector<16xf32>
    %swap3A_269 = vector.shape_cast %broadcast_in_dim3A_265 : vector<16xf32> to vector<16xf32>
    tpu.vector_store %arg9[%swap3A_266], %swap3A_269 {strides = array<i32>} : memref<512xf32, #tpu.memory_space<vmem>>, vector<16xf32>,
    %broadcast_in_dim3A_270 = arith.constant 0.000000e+00 : f32
    %broadcast_in_dim3A_271 = vector.broadcast %broadcast_in_dim3A_270 : f32 to vector<16xf32>
    %swap3A_272 = arith.constant 432 : index
    %swap3A_273 = tpu.vector_load %arg9[%swap3A_272] {strides = array<i32>} : memref<512xf32, #tpu.memory_space<vmem>>, vector<16xf32>,
    %swap3A_274 = vector.shape_cast %swap3A_273 : vector<16xf32> to vector<16xf32>
    %swap3A_275 = vector.shape_cast %broadcast_in_dim3A_271 : vector<16xf32> to vector<16xf32>
    tpu.vector_store %arg9[%swap3A_272], %swap3A_275 {strides = array<i32>} : memref<512xf32, #tpu.memory_space<vmem>>, vector<16xf32>,
    %broadcast_in_dim3A_276 = arith.constant 0.000000e+00 : f32
    %broadcast_in_dim3A_277 = vector.broadcast %broadcast_in_dim3A_276 : f32 to vector<16xf32>
    %swap3A_278 = arith.constant 448 : index
    %swap3A_279 = tpu.vector_load %arg9[%swap3A_278] {strides = array<i32>} : memref<512xf32, #tpu.memory_space<vmem>>, vector<16xf32>,
    %swap3A_280 = vector.shape_cast %swap3A_279 : vector<16xf32> to vector<16xf32>
    %swap3A_281 = vector.shape_cast %broadcast_in_dim3A_277 : vector<16xf32> to vector<16xf32>
    tpu.vector_store %arg9[%swap3A_278], %swap3A_281 {strides = array<i32>} : memref<512xf32, #tpu.memory_space<vmem>>, vector<16xf32>,
    %broadcast_in_dim3A_282 = arith.constant 0.000000e+00 : f32
    %broadcast_in_dim3A_283 = vector.broadcast %broadcast_in_dim3A_282 : f32 to vector<16xf32>
    %swap3A_284 = arith.constant 464 : index
    %swap3A_285 = tpu.vector_load %arg9[%swap3A_284] {strides = array<i32>} : memref<512xf32, #tpu.memory_space<vmem>>, vector<16xf32>,
    %swap3A_286 = vector.shape_cast %swap3A_285 : vector<16xf32> to vector<16xf32>
    %swap3A_287 = vector.shape_cast %broadcast_in_dim3A_283 : vector<16xf32> to vector<16xf32>
    tpu.vector_store %arg9[%swap3A_284], %swap3A_287 {strides = array<i32>} : memref<512xf32, #tpu.memory_space<vmem>>, vector<16xf32>,
    %broadcast_in_dim3A_288 = arith.constant 0.000000e+00 : f32
    %broadcast_in_dim3A_289 = vector.broadcast %broadcast_in_dim3A_288 : f32 to vector<16xf32>
    %swap3A_290 = arith.constant 480 : index
    %swap3A_291 = tpu.vector_load %arg9[%swap3A_290] {strides = array<i32>} : memref<512xf32, #tpu.memory_space<vmem>>, vector<16xf32>,
    %swap3A_292 = vector.shape_cast %swap3A_291 : vector<16xf32> to vector<16xf32>
    %swap3A_293 = vector.shape_cast %broadcast_in_dim3A_289 : vector<16xf32> to vector<16xf32>
    tpu.vector_store %arg9[%swap3A_290], %swap3A_293 {strides = array<i32>} : memref<512xf32, #tpu.memory_space<vmem>>, vector<16xf32>,
    %broadcast_in_dim3A_294 = arith.constant 0.000000e+00 : f32
    %broadcast_in_dim3A_295 = vector.broadcast %broadcast_in_dim3A_294 : f32 to vector<16xf32>
    %swap3A_296 = arith.constant 496 : index
    %swap3A_297 = tpu.vector_load %arg9[%swap3A_296] {strides = array<i32>} : memref<512xf32, #tpu.memory_space<vmem>>, vector<16xf32>,
    %swap3A_298 = vector.shape_cast %swap3A_297 : vector<16xf32> to vector<16xf32>
    %swap3A_299 = vector.shape_cast %broadcast_in_dim3A_295 : vector<16xf32> to vector<16xf32>
    tpu.vector_store %arg9[%swap3A_296], %swap3A_299 {strides = array<i32>} : memref<512xf32, #tpu.memory_space<vmem>>, vector<16xf32>,
    %get3A = arith.constant 0 : i32
    %get3A_300 = arith.index_cast %get3A : i32 to index
    %get3A_301 = arith.constant 0 : index
    %get3A_302 = tpu.vector_load %arg5[%get3A_300, %get3A_301] {strides = array<i32>} : memref<4x128xi32, #tpu.memory_space<vmem>>, vector<1x16xi32>,
    %get3A_303 = vector.shape_cast %get3A_302 : vector<1x16xi32> to vector<16xi32>
    %add3A_304 = vector.broadcast %mul3A_61 : i32 to vector<16xi32>
    %add3A_305 = arith.addi %get3A_303, %add3A_304 : vector<16xi32>
    %swap3A_306 = arith.constant 0 : i32
    %swap3A_307 = arith.index_cast %swap3A_306 : i32 to index
    %swap3A_308 = arith.constant 0 : index
    %swap3A_309 = tpu.vector_load %arg5[%swap3A_307, %swap3A_308] {strides = array<i32>} : memref<4x128xi32, #tpu.memory_space<vmem>>, vector<1x16xi32>,
    %swap3A_310 = vector.shape_cast %swap3A_309 : vector<1x16xi32> to vector<16xi32>
    %swap3A_311 = vector.shape_cast %add3A_305 : vector<16xi32> to vector<1x16xi32>
    tpu.vector_store %arg5[%swap3A_307, %swap3A_308], %swap3A_311 {strides = array<i32>} : memref<4x128xi32, #tpu.memory_space<vmem>>, vector<1x16xi32>,
    %get3A_312 = arith.constant 0 : i32
    %get3A_313 = arith.index_cast %get3A_312 : i32 to index
    %get3A_314 = arith.constant 16 : index
    %get3A_315 = tpu.vector_load %arg5[%get3A_313, %get3A_314] {strides = array<i32>} : memref<4x128xi32, #tpu.memory_space<vmem>>, vector<1x16xi32>,
    %get3A_316 = vector.shape_cast %get3A_315 : vector<1x16xi32> to vector<16xi32>
    %add3A_317 = vector.broadcast %mul3A_61 : i32 to vector<16xi32>
    %add3A_318 = arith.addi %get3A_316, %add3A_317 : vector<16xi32>
    %swap3A_319 = arith.constant 0 : i32
    %swap3A_320 = arith.index_cast %swap3A_319 : i32 to index
    %swap3A_321 = arith.constant 16 : index
    %swap3A_322 = tpu.vector_load %arg5[%swap3A_320, %swap3A_321] {strides = array<i32>} : memref<4x128xi32, #tpu.memory_space<vmem>>, vector<1x16xi32>,
    %swap3A_323 = vector.shape_cast %swap3A_322 : vector<1x16xi32> to vector<16xi32>
    %swap3A_324 = vector.shape_cast %add3A_318 : vector<16xi32> to vector<1x16xi32>
    tpu.vector_store %arg5[%swap3A_320, %swap3A_321], %swap3A_324 {strides = array<i32>} : memref<4x128xi32, #tpu.memory_space<vmem>>, vector<1x16xi32>,
    %get3A_325 = arith.constant 0 : i32
    %get3A_326 = arith.index_cast %get3A_325 : i32 to index
    %get3A_327 = arith.constant 32 : index
    %get3A_328 = tpu.vector_load %arg5[%get3A_326, %get3A_327] {strides = array<i32>} : memref<4x128xi32, #tpu.memory_space<vmem>>, vector<1x16xi32>,
    %get3A_329 = vector.shape_cast %get3A_328 : vector<1x16xi32> to vector<16xi32>
    %add3A_330 = vector.broadcast %mul3A_61 : i32 to vector<16xi32>
    %add3A_331 = arith.addi %get3A_329, %add3A_330 : vector<16xi32>
    %swap3A_332 = arith.constant 0 : i32
    %swap3A_333 = arith.index_cast %swap3A_332 : i32 to index
    %swap3A_334 = arith.constant 32 : index
    %swap3A_335 = tpu.vector_load %arg5[%swap3A_333, %swap3A_334] {strides = array<i32>} : memref<4x128xi32, #tpu.memory_space<vmem>>, vector<1x16xi32>,
    %swap3A_336 = vector.shape_cast %swap3A_335 : vector<1x16xi32> to vector<16xi32>
    %swap3A_337 = vector.shape_cast %add3A_331 : vector<16xi32> to vector<1x16xi32>
    tpu.vector_store %arg5[%swap3A_333, %swap3A_334], %swap3A_337 {strides = array<i32>} : memref<4x128xi32, #tpu.memory_space<vmem>>, vector<1x16xi32>,
    %get3A_338 = arith.constant 0 : i32
    %get3A_339 = arith.index_cast %get3A_338 : i32 to index
    %get3A_340 = arith.constant 48 : index
    %get3A_341 = tpu.vector_load %arg5[%get3A_339, %get3A_340] {strides = array<i32>} : memref<4x128xi32, #tpu.memory_space<vmem>>, vector<1x16xi32>,
    %get3A_342 = vector.shape_cast %get3A_341 : vector<1x16xi32> to vector<16xi32>
    %add3A_343 = vector.broadcast %mul3A_61 : i32 to vector<16xi32>
    %add3A_344 = arith.addi %get3A_342, %add3A_343 : vector<16xi32>
    %swap3A_345 = arith.constant 0 : i32
    %swap3A_346 = arith.index_cast %swap3A_345 : i32 to index
    %swap3A_347 = arith.constant 48 : index
    %swap3A_348 = tpu.vector_load %arg5[%swap3A_346, %swap3A_347] {strides = array<i32>} : memref<4x128xi32, #tpu.memory_space<vmem>>, vector<1x16xi32>,
    %swap3A_349 = vector.shape_cast %swap3A_348 : vector<1x16xi32> to vector<16xi32>
    %swap3A_350 = vector.shape_cast %add3A_344 : vector<16xi32> to vector<1x16xi32>
    tpu.vector_store %arg5[%swap3A_346, %swap3A_347], %swap3A_350 {strides = array<i32>} : memref<4x128xi32, #tpu.memory_space<vmem>>, vector<1x16xi32>,
    %get3A_351 = arith.constant 0 : i32
    %get3A_352 = arith.index_cast %get3A_351 : i32 to index
    %get3A_353 = arith.constant 64 : index
    %get3A_354 = tpu.vector_load %arg5[%get3A_352, %get3A_353] {strides = array<i32>} : memref<4x128xi32, #tpu.memory_space<vmem>>, vector<1x16xi32>,
    %get3A_355 = vector.shape_cast %get3A_354 : vector<1x16xi32> to vector<16xi32>
    %add3A_356 = vector.broadcast %mul3A_61 : i32 to vector<16xi32>
    %add3A_357 = arith.addi %get3A_355, %add3A_356 : vector<16xi32>
    %swap3A_358 = arith.constant 0 : i32
    %swap3A_359 = arith.index_cast %swap3A_358 : i32 to index
    %swap3A_360 = arith.constant 64 : index
    %swap3A_361 = tpu.vector_load %arg5[%swap3A_359, %swap3A_360] {strides = array<i32>} : memref<4x128xi32, #tpu.memory_space<vmem>>, vector<1x16xi32>,
    %swap3A_362 = vector.shape_cast %swap3A_361 : vector<1x16xi32> to vector<16xi32>
    %swap3A_363 = vector.shape_cast %add3A_357 : vector<16xi32> to vector<1x16xi32>
    tpu.vector_store %arg5[%swap3A_359, %swap3A_360], %swap3A_363 {strides = array<i32>} : memref<4x128xi32, #tpu.memory_space<vmem>>, vector<1x16xi32>,
    %get3A_364 = arith.constant 0 : i32
    %get3A_365 = arith.index_cast %get3A_364 : i32 to index
    %get3A_366 = arith.constant 80 : index
    %get3A_367 = tpu.vector_load %arg5[%get3A_365, %get3A_366] {strides = array<i32>} : memref<4x128xi32, #tpu.memory_space<vmem>>, vector<1x16xi32>,
    %get3A_368 = vector.shape_cast %get3A_367 : vector<1x16xi32> to vector<16xi32>
    %add3A_369 = vector.broadcast %mul3A_61 : i32 to vector<16xi32>
    %add3A_370 = arith.addi %get3A_368, %add3A_369 : vector<16xi32>
    %swap3A_371 = arith.constant 0 : i32
    %swap3A_372 = arith.index_cast %swap3A_371 : i32 to index
    %swap3A_373 = arith.constant 80 : index
    %swap3A_374 = tpu.vector_load %arg5[%swap3A_372, %swap3A_373] {strides = array<i32>} : memref<4x128xi32, #tpu.memory_space<vmem>>, vector<1x16xi32>,
    %swap3A_375 = vector.shape_cast %swap3A_374 : vector<1x16xi32> to vector<16xi32>
    %swap3A_376 = vector.shape_cast %add3A_370 : vector<16xi32> to vector<1x16xi32>
    tpu.vector_store %arg5[%swap3A_372, %swap3A_373], %swap3A_376 {strides = array<i32>} : memref<4x128xi32, #tpu.memory_space<vmem>>, vector<1x16xi32>,
    %get3A_377 = arith.constant 0 : i32
    %get3A_378 = arith.index_cast %get3A_377 : i32 to index
    %get3A_379 = arith.constant 96 : index
    %get3A_380 = tpu.vector_load %arg5[%get3A_378, %get3A_379] {strides = array<i32>} : memref<4x128xi32, #tpu.memory_space<vmem>>, vector<1x16xi32>,
    %get3A_381 = vector.shape_cast %get3A_380 : vector<1x16xi32> to vector<16xi32>
    %add3A_382 = vector.broadcast %mul3A_61 : i32 to vector<16xi32>
    %add3A_383 = arith.addi %get3A_381, %add3A_382 : vector<16xi32>
    %swap3A_384 = arith.constant 0 : i32
    %swap3A_385 = arith.index_cast %swap3A_384 : i32 to index
    %swap3A_386 = arith.constant 96 : index
    %swap3A_387 = tpu.vector_load %arg5[%swap3A_385, %swap3A_386] {strides = array<i32>} : memref<4x128xi32, #tpu.memory_space<vmem>>, vector<1x16xi32>,
    %swap3A_388 = vector.shape_cast %swap3A_387 : vector<1x16xi32> to vector<16xi32>
    %swap3A_389 = vector.shape_cast %add3A_383 : vector<16xi32> to vector<1x16xi32>
    tpu.vector_store %arg5[%swap3A_385, %swap3A_386], %swap3A_389 {strides = array<i32>} : memref<4x128xi32, #tpu.memory_space<vmem>>, vector<1x16xi32>,
    %get3A_390 = arith.constant 0 : i32
    %get3A_391 = arith.index_cast %get3A_390 : i32 to index
    %get3A_392 = arith.constant 112 : index
    %get3A_393 = tpu.vector_load %arg5[%get3A_391, %get3A_392] {strides = array<i32>} : memref<4x128xi32, #tpu.memory_space<vmem>>, vector<1x16xi32>,
    %get3A_394 = vector.shape_cast %get3A_393 : vector<1x16xi32> to vector<16xi32>
    %add3A_395 = vector.broadcast %mul3A_61 : i32 to vector<16xi32>
    %add3A_396 = arith.addi %get3A_394, %add3A_395 : vector<16xi32>
    %swap3A_397 = arith.constant 0 : i32
    %swap3A_398 = arith.index_cast %swap3A_397 : i32 to index
    %swap3A_399 = arith.constant 112 : index
    %swap3A_400 = tpu.vector_load %arg5[%swap3A_398, %swap3A_399] {strides = array<i32>} : memref<4x128xi32, #tpu.memory_space<vmem>>, vector<1x16xi32>,
    %swap3A_401 = vector.shape_cast %swap3A_400 : vector<1x16xi32> to vector<16xi32>
    %swap3A_402 = vector.shape_cast %add3A_396 : vector<16xi32> to vector<1x16xi32>
    tpu.vector_store %arg5[%swap3A_398, %swap3A_399], %swap3A_402 {strides = array<i32>} : memref<4x128xi32, #tpu.memory_space<vmem>>, vector<1x16xi32>,
    %get3A_403 = arith.constant 1 : i32
    %get3A_404 = arith.index_cast %get3A_403 : i32 to index
    %get3A_405 = arith.constant 0 : index
    %get3A_406 = tpu.vector_load %arg5[%get3A_404, %get3A_405] {strides = array<i32>} : memref<4x128xi32, #tpu.memory_space<vmem>>, vector<1x16xi32>,
    %get3A_407 = vector.shape_cast %get3A_406 : vector<1x16xi32> to vector<16xi32>
    %add3A_408 = vector.broadcast %mul3A_61 : i32 to vector<16xi32>
    %add3A_409 = arith.addi %get3A_407, %add3A_408 : vector<16xi32>
    %swap3A_410 = arith.constant 1 : i32
    %swap3A_411 = arith.index_cast %swap3A_410 : i32 to index
    %swap3A_412 = arith.constant 0 : index
    %swap3A_413 = tpu.vector_load %arg5[%swap3A_411, %swap3A_412] {strides = array<i32>} : memref<4x128xi32, #tpu.memory_space<vmem>>, vector<1x16xi32>,
    %swap3A_414 = vector.shape_cast %swap3A_413 : vector<1x16xi32> to vector<16xi32>
    %swap3A_415 = vector.shape_cast %add3A_409 : vector<16xi32> to vector<1x16xi32>
    tpu.vector_store %arg5[%swap3A_411, %swap3A_412], %swap3A_415 {strides = array<i32>} : memref<4x128xi32, #tpu.memory_space<vmem>>, vector<1x16xi32>,
    %get3A_416 = arith.constant 1 : i32
    %get3A_417 = arith.index_cast %get3A_416 : i32 to index
    %get3A_418 = arith.constant 16 : index
    %get3A_419 = tpu.vector_load %arg5[%get3A_417, %get3A_418] {strides = array<i32>} : memref<4x128xi32, #tpu.memory_space<vmem>>, vector<1x16xi32>,
    %get3A_420 = vector.shape_cast %get3A_419 : vector<1x16xi32> to vector<16xi32>
    %add3A_421 = vector.broadcast %mul3A_61 : i32 to vector<16xi32>
    %add3A_422 = arith.addi %get3A_420, %add3A_421 : vector<16xi32>
    %swap3A_423 = arith.constant 1 : i32
    %swap3A_424 = arith.index_cast %swap3A_423 : i32 to index
    %swap3A_425 = arith.constant 16 : index
    %swap3A_426 = tpu.vector_load %arg5[%swap3A_424, %swap3A_425] {strides = array<i32>} : memref<4x128xi32, #tpu.memory_space<vmem>>, vector<1x16xi32>,
    %swap3A_427 = vector.shape_cast %swap3A_426 : vector<1x16xi32> to vector<16xi32>
    %swap3A_428 = vector.shape_cast %add3A_422 : vector<16xi32> to vector<1x16xi32>
    tpu.vector_store %arg5[%swap3A_424, %swap3A_425], %swap3A_428 {strides = array<i32>} : memref<4x128xi32, #tpu.memory_space<vmem>>, vector<1x16xi32>,
    %get3A_429 = arith.constant 1 : i32
    %get3A_430 = arith.index_cast %get3A_429 : i32 to index
    %get3A_431 = arith.constant 32 : index
    %get3A_432 = tpu.vector_load %arg5[%get3A_430, %get3A_431] {strides = array<i32>} : memref<4x128xi32, #tpu.memory_space<vmem>>, vector<1x16xi32>,
    %get3A_433 = vector.shape_cast %get3A_432 : vector<1x16xi32> to vector<16xi32>
    %add3A_434 = vector.broadcast %mul3A_61 : i32 to vector<16xi32>
    %add3A_435 = arith.addi %get3A_433, %add3A_434 : vector<16xi32>
    %swap3A_436 = arith.constant 1 : i32
    %swap3A_437 = arith.index_cast %swap3A_436 : i32 to index
    %swap3A_438 = arith.constant 32 : index
    %swap3A_439 = tpu.vector_load %arg5[%swap3A_437, %swap3A_438] {strides = array<i32>} : memref<4x128xi32, #tpu.memory_space<vmem>>, vector<1x16xi32>,
    %swap3A_440 = vector.shape_cast %swap3A_439 : vector<1x16xi32> to vector<16xi32>
    %swap3A_441 = vector.shape_cast %add3A_435 : vector<16xi32> to vector<1x16xi32>
    tpu.vector_store %arg5[%swap3A_437, %swap3A_438], %swap3A_441 {strides = array<i32>} : memref<4x128xi32, #tpu.memory_space<vmem>>, vector<1x16xi32>,
    %get3A_442 = arith.constant 1 : i32
    %get3A_443 = arith.index_cast %get3A_442 : i32 to index
    %get3A_444 = arith.constant 48 : index
    %get3A_445 = tpu.vector_load %arg5[%get3A_443, %get3A_444] {strides = array<i32>} : memref<4x128xi32, #tpu.memory_space<vmem>>, vector<1x16xi32>,
    %get3A_446 = vector.shape_cast %get3A_445 : vector<1x16xi32> to vector<16xi32>
    %add3A_447 = vector.broadcast %mul3A_61 : i32 to vector<16xi32>
    %add3A_448 = arith.addi %get3A_446, %add3A_447 : vector<16xi32>
    %swap3A_449 = arith.constant 1 : i32
    %swap3A_450 = arith.index_cast %swap3A_449 : i32 to index
    %swap3A_451 = arith.constant 48 : index
    %swap3A_452 = tpu.vector_load %arg5[%swap3A_450, %swap3A_451] {strides = array<i32>} : memref<4x128xi32, #tpu.memory_space<vmem>>, vector<1x16xi32>,
    %swap3A_453 = vector.shape_cast %swap3A_452 : vector<1x16xi32> to vector<16xi32>
    %swap3A_454 = vector.shape_cast %add3A_448 : vector<16xi32> to vector<1x16xi32>
    tpu.vector_store %arg5[%swap3A_450, %swap3A_451], %swap3A_454 {strides = array<i32>} : memref<4x128xi32, #tpu.memory_space<vmem>>, vector<1x16xi32>,
    %get3A_455 = arith.constant 1 : i32
    %get3A_456 = arith.index_cast %get3A_455 : i32 to index
    %get3A_457 = arith.constant 64 : index
    %get3A_458 = tpu.vector_load %arg5[%get3A_456, %get3A_457] {strides = array<i32>} : memref<4x128xi32, #tpu.memory_space<vmem>>, vector<1x16xi32>,
    %get3A_459 = vector.shape_cast %get3A_458 : vector<1x16xi32> to vector<16xi32>
    %add3A_460 = vector.broadcast %mul3A_61 : i32 to vector<16xi32>
    %add3A_461 = arith.addi %get3A_459, %add3A_460 : vector<16xi32>
    %swap3A_462 = arith.constant 1 : i32
    %swap3A_463 = arith.index_cast %swap3A_462 : i32 to index
    %swap3A_464 = arith.constant 64 : index
    %swap3A_465 = tpu.vector_load %arg5[%swap3A_463, %swap3A_464] {strides = array<i32>} : memref<4x128xi32, #tpu.memory_space<vmem>>, vector<1x16xi32>,
    %swap3A_466 = vector.shape_cast %swap3A_465 : vector<1x16xi32> to vector<16xi32>
    %swap3A_467 = vector.shape_cast %add3A_461 : vector<16xi32> to vector<1x16xi32>
    tpu.vector_store %arg5[%swap3A_463, %swap3A_464], %swap3A_467 {strides = array<i32>} : memref<4x128xi32, #tpu.memory_space<vmem>>, vector<1x16xi32>,
    %get3A_468 = arith.constant 1 : i32
    %get3A_469 = arith.index_cast %get3A_468 : i32 to index
    %get3A_470 = arith.constant 80 : index
    %get3A_471 = tpu.vector_load %arg5[%get3A_469, %get3A_470] {strides = array<i32>} : memref<4x128xi32, #tpu.memory_space<vmem>>, vector<1x16xi32>,
    %get3A_472 = vector.shape_cast %get3A_471 : vector<1x16xi32> to vector<16xi32>
    %add3A_473 = vector.broadcast %mul3A_61 : i32 to vector<16xi32>
    %add3A_474 = arith.addi %get3A_472, %add3A_473 : vector<16xi32>
    %swap3A_475 = arith.constant 1 : i32
    %swap3A_476 = arith.index_cast %swap3A_475 : i32 to index
    %swap3A_477 = arith.constant 80 : index
    %swap3A_478 = tpu.vector_load %arg5[%swap3A_476, %swap3A_477] {strides = array<i32>} : memref<4x128xi32, #tpu.memory_space<vmem>>, vector<1x16xi32>,
    %swap3A_479 = vector.shape_cast %swap3A_478 : vector<1x16xi32> to vector<16xi32>
    %swap3A_480 = vector.shape_cast %add3A_474 : vector<16xi32> to vector<1x16xi32>
    tpu.vector_store %arg5[%swap3A_476, %swap3A_477], %swap3A_480 {strides = array<i32>} : memref<4x128xi32, #tpu.memory_space<vmem>>, vector<1x16xi32>,
    %get3A_481 = arith.constant 1 : i32
    %get3A_482 = arith.index_cast %get3A_481 : i32 to index
    %get3A_483 = arith.constant 96 : index
    %get3A_484 = tpu.vector_load %arg5[%get3A_482, %get3A_483] {strides = array<i32>} : memref<4x128xi32, #tpu.memory_space<vmem>>, vector<1x16xi32>,
    %get3A_485 = vector.shape_cast %get3A_484 : vector<1x16xi32> to vector<16xi32>
    %add3A_486 = vector.broadcast %mul3A_61 : i32 to vector<16xi32>
    %add3A_487 = arith.addi %get3A_485, %add3A_486 : vector<16xi32>
    %swap3A_488 = arith.constant 1 : i32
    %swap3A_489 = arith.index_cast %swap3A_488 : i32 to index
    %swap3A_490 = arith.constant 96 : index
    %swap3A_491 = tpu.vector_load %arg5[%swap3A_489, %swap3A_490] {strides = array<i32>} : memref<4x128xi32, #tpu.memory_space<vmem>>, vector<1x16xi32>,
    %swap3A_492 = vector.shape_cast %swap3A_491 : vector<1x16xi32> to vector<16xi32>
    %swap3A_493 = vector.shape_cast %add3A_487 : vector<16xi32> to vector<1x16xi32>
    tpu.vector_store %arg5[%swap3A_489, %swap3A_490], %swap3A_493 {strides = array<i32>} : memref<4x128xi32, #tpu.memory_space<vmem>>, vector<1x16xi32>,
    %get3A_494 = arith.constant 1 : i32
    %get3A_495 = arith.index_cast %get3A_494 : i32 to index
    %get3A_496 = arith.constant 112 : index
    %get3A_497 = tpu.vector_load %arg5[%get3A_495, %get3A_496] {strides = array<i32>} : memref<4x128xi32, #tpu.memory_space<vmem>>, vector<1x16xi32>,
    %get3A_498 = vector.shape_cast %get3A_497 : vector<1x16xi32> to vector<16xi32>
    %add3A_499 = vector.broadcast %mul3A_61 : i32 to vector<16xi32>
    %add3A_500 = arith.addi %get3A_498, %add3A_499 : vector<16xi32>
    %swap3A_501 = arith.constant 1 : i32
    %swap3A_502 = arith.index_cast %swap3A_501 : i32 to index
    %swap3A_503 = arith.constant 112 : index
    %swap3A_504 = tpu.vector_load %arg5[%swap3A_502, %swap3A_503] {strides = array<i32>} : memref<4x128xi32, #tpu.memory_space<vmem>>, vector<1x16xi32>,
    %swap3A_505 = vector.shape_cast %swap3A_504 : vector<1x16xi32> to vector<16xi32>
    %swap3A_506 = vector.shape_cast %add3A_500 : vector<16xi32> to vector<1x16xi32>
    tpu.vector_store %arg5[%swap3A_502, %swap3A_503], %swap3A_506 {strides = array<i32>} : memref<4x128xi32, #tpu.memory_space<vmem>>, vector<1x16xi32>,
    %get3A_507 = arith.constant 2 : i32
    %get3A_508 = arith.index_cast %get3A_507 : i32 to index
    %get3A_509 = arith.constant 0 : index
    %get3A_510 = tpu.vector_load %arg5[%get3A_508, %get3A_509] {strides = array<i32>} : memref<4x128xi32, #tpu.memory_space<vmem>>, vector<1x16xi32>,
    %get3A_511 = vector.shape_cast %get3A_510 : vector<1x16xi32> to vector<16xi32>
    %add3A_512 = vector.broadcast %mul3A_61 : i32 to vector<16xi32>
    %add3A_513 = arith.addi %get3A_511, %add3A_512 : vector<16xi32>
    %swap3A_514 = arith.constant 2 : i32
    %swap3A_515 = arith.index_cast %swap3A_514 : i32 to index
    %swap3A_516 = arith.constant 0 : index
    %swap3A_517 = tpu.vector_load %arg5[%swap3A_515, %swap3A_516] {strides = array<i32>} : memref<4x128xi32, #tpu.memory_space<vmem>>, vector<1x16xi32>,
    %swap3A_518 = vector.shape_cast %swap3A_517 : vector<1x16xi32> to vector<16xi32>
    %swap3A_519 = vector.shape_cast %add3A_513 : vector<16xi32> to vector<1x16xi32>
    tpu.vector_store %arg5[%swap3A_515, %swap3A_516], %swap3A_519 {strides = array<i32>} : memref<4x128xi32, #tpu.memory_space<vmem>>, vector<1x16xi32>,
    %get3A_520 = arith.constant 2 : i32
    %get3A_521 = arith.index_cast %get3A_520 : i32 to index
    %get3A_522 = arith.constant 16 : index
    %get3A_523 = tpu.vector_load %arg5[%get3A_521, %get3A_522] {strides = array<i32>} : memref<4x128xi32, #tpu.memory_space<vmem>>, vector<1x16xi32>,
    %get3A_524 = vector.shape_cast %get3A_523 : vector<1x16xi32> to vector<16xi32>
    %add3A_525 = vector.broadcast %mul3A_61 : i32 to vector<16xi32>
    %add3A_526 = arith.addi %get3A_524, %add3A_525 : vector<16xi32>
    %swap3A_527 = arith.constant 2 : i32
    %swap3A_528 = arith.index_cast %swap3A_527 : i32 to index
    %swap3A_529 = arith.constant 16 : index
    %swap3A_530 = tpu.vector_load %arg5[%swap3A_528, %swap3A_529] {strides = array<i32>} : memref<4x128xi32, #tpu.memory_space<vmem>>, vector<1x16xi32>,
    %swap3A_531 = vector.shape_cast %swap3A_530 : vector<1x16xi32> to vector<16xi32>
    %swap3A_532 = vector.shape_cast %add3A_526 : vector<16xi32> to vector<1x16xi32>
    tpu.vector_store %arg5[%swap3A_528, %swap3A_529], %swap3A_532 {strides = array<i32>} : memref<4x128xi32, #tpu.memory_space<vmem>>, vector<1x16xi32>,
    %get3A_533 = arith.constant 2 : i32
    %get3A_534 = arith.index_cast %get3A_533 : i32 to index
    %get3A_535 = arith.constant 32 : index
    %get3A_536 = tpu.vector_load %arg5[%get3A_534, %get3A_535] {strides = array<i32>} : memref<4x128xi32, #tpu.memory_space<vmem>>, vector<1x16xi32>,
    %get3A_537 = vector.shape_cast %get3A_536 : vector<1x16xi32> to vector<16xi32>
    %add3A_538 = vector.broadcast %mul3A_61 : i32 to vector<16xi32>
    %add3A_539 = arith.addi %get3A_537, %add3A_538 : vector<16xi32>
    %swap3A_540 = arith.constant 2 : i32
    %swap3A_541 = arith.index_cast %swap3A_540 : i32 to index
    %swap3A_542 = arith.constant 32 : index
    %swap3A_543 = tpu.vector_load %arg5[%swap3A_541, %swap3A_542] {strides = array<i32>} : memref<4x128xi32, #tpu.memory_space<vmem>>, vector<1x16xi32>,
    %swap3A_544 = vector.shape_cast %swap3A_543 : vector<1x16xi32> to vector<16xi32>
    %swap3A_545 = vector.shape_cast %add3A_539 : vector<16xi32> to vector<1x16xi32>
    tpu.vector_store %arg5[%swap3A_541, %swap3A_542], %swap3A_545 {strides = array<i32>} : memref<4x128xi32, #tpu.memory_space<vmem>>, vector<1x16xi32>,
    %get3A_546 = arith.constant 2 : i32
    %get3A_547 = arith.index_cast %get3A_546 : i32 to index
    %get3A_548 = arith.constant 48 : index
    %get3A_549 = tpu.vector_load %arg5[%get3A_547, %get3A_548] {strides = array<i32>} : memref<4x128xi32, #tpu.memory_space<vmem>>, vector<1x16xi32>,
    %get3A_550 = vector.shape_cast %get3A_549 : vector<1x16xi32> to vector<16xi32>
    %add3A_551 = vector.broadcast %mul3A_61 : i32 to vector<16xi32>
    %add3A_552 = arith.addi %get3A_550, %add3A_551 : vector<16xi32>
    %swap3A_553 = arith.constant 2 : i32
    %swap3A_554 = arith.index_cast %swap3A_553 : i32 to index
    %swap3A_555 = arith.constant 48 : index
    %swap3A_556 = tpu.vector_load %arg5[%swap3A_554, %swap3A_555] {strides = array<i32>} : memref<4x128xi32, #tpu.memory_space<vmem>>, vector<1x16xi32>,
    %swap3A_557 = vector.shape_cast %swap3A_556 : vector<1x16xi32> to vector<16xi32>
    %swap3A_558 = vector.shape_cast %add3A_552 : vector<16xi32> to vector<1x16xi32>
    tpu.vector_store %arg5[%swap3A_554, %swap3A_555], %swap3A_558 {strides = array<i32>} : memref<4x128xi32, #tpu.memory_space<vmem>>, vector<1x16xi32>,
    %get3A_559 = arith.constant 2 : i32
    %get3A_560 = arith.index_cast %get3A_559 : i32 to index
    %get3A_561 = arith.constant 64 : index
    %get3A_562 = tpu.vector_load %arg5[%get3A_560, %get3A_561] {strides = array<i32>} : memref<4x128xi32, #tpu.memory_space<vmem>>, vector<1x16xi32>,
    %get3A_563 = vector.shape_cast %get3A_562 : vector<1x16xi32> to vector<16xi32>
    %add3A_564 = vector.broadcast %mul3A_61 : i32 to vector<16xi32>
    %add3A_565 = arith.addi %get3A_563, %add3A_564 : vector<16xi32>
    %swap3A_566 = arith.constant 2 : i32
    %swap3A_567 = arith.index_cast %swap3A_566 : i32 to index
    %swap3A_568 = arith.constant 64 : index
    %swap3A_569 = tpu.vector_load %arg5[%swap3A_567, %swap3A_568] {strides = array<i32>} : memref<4x128xi32, #tpu.memory_space<vmem>>, vector<1x16xi32>,
    %swap3A_570 = vector.shape_cast %swap3A_569 : vector<1x16xi32> to vector<16xi32>
    %swap3A_571 = vector.shape_cast %add3A_565 : vector<16xi32> to vector<1x16xi32>
    tpu.vector_store %arg5[%swap3A_567, %swap3A_568], %swap3A_571 {strides = array<i32>} : memref<4x128xi32, #tpu.memory_space<vmem>>, vector<1x16xi32>,
    %get3A_572 = arith.constant 2 : i32
    %get3A_573 = arith.index_cast %get3A_572 : i32 to index
    %get3A_574 = arith.constant 80 : index
    %get3A_575 = tpu.vector_load %arg5[%get3A_573, %get3A_574] {strides = array<i32>} : memref<4x128xi32, #tpu.memory_space<vmem>>, vector<1x16xi32>,
    %get3A_576 = vector.shape_cast %get3A_575 : vector<1x16xi32> to vector<16xi32>
    %add3A_577 = vector.broadcast %mul3A_61 : i32 to vector<16xi32>
    %add3A_578 = arith.addi %get3A_576, %add3A_577 : vector<16xi32>
    %swap3A_579 = arith.constant 2 : i32
    %swap3A_580 = arith.index_cast %swap3A_579 : i32 to index
    %swap3A_581 = arith.constant 80 : index
    %swap3A_582 = tpu.vector_load %arg5[%swap3A_580, %swap3A_581] {strides = array<i32>} : memref<4x128xi32, #tpu.memory_space<vmem>>, vector<1x16xi32>,
    %swap3A_583 = vector.shape_cast %swap3A_582 : vector<1x16xi32> to vector<16xi32>
    %swap3A_584 = vector.shape_cast %add3A_578 : vector<16xi32> to vector<1x16xi32>
    tpu.vector_store %arg5[%swap3A_580, %swap3A_581], %swap3A_584 {strides = array<i32>} : memref<4x128xi32, #tpu.memory_space<vmem>>, vector<1x16xi32>,
    %get3A_585 = arith.constant 2 : i32
    %get3A_586 = arith.index_cast %get3A_585 : i32 to index
    %get3A_587 = arith.constant 96 : index
    %get3A_588 = tpu.vector_load %arg5[%get3A_586, %get3A_587] {strides = array<i32>} : memref<4x128xi32, #tpu.memory_space<vmem>>, vector<1x16xi32>,
    %get3A_589 = vector.shape_cast %get3A_588 : vector<1x16xi32> to vector<16xi32>
    %add3A_590 = vector.broadcast %mul3A_61 : i32 to vector<16xi32>
    %add3A_591 = arith.addi %get3A_589, %add3A_590 : vector<16xi32>
    %swap3A_592 = arith.constant 2 : i32
    %swap3A_593 = arith.index_cast %swap3A_592 : i32 to index
    %swap3A_594 = arith.constant 96 : index
    %swap3A_595 = tpu.vector_load %arg5[%swap3A_593, %swap3A_594] {strides = array<i32>} : memref<4x128xi32, #tpu.memory_space<vmem>>, vector<1x16xi32>,
    %swap3A_596 = vector.shape_cast %swap3A_595 : vector<1x16xi32> to vector<16xi32>
    %swap3A_597 = vector.shape_cast %add3A_591 : vector<16xi32> to vector<1x16xi32>
    tpu.vector_store %arg5[%swap3A_593, %swap3A_594], %swap3A_597 {strides = array<i32>} : memref<4x128xi32, #tpu.memory_space<vmem>>, vector<1x16xi32>,
    %get3A_598 = arith.constant 2 : i32
    %get3A_599 = arith.index_cast %get3A_598 : i32 to index
    %get3A_600 = arith.constant 112 : index
    %get3A_601 = tpu.vector_load %arg5[%get3A_599, %get3A_600] {strides = array<i32>} : memref<4x128xi32, #tpu.memory_space<vmem>>, vector<1x16xi32>,
    %get3A_602 = vector.shape_cast %get3A_601 : vector<1x16xi32> to vector<16xi32>
    %add3A_603 = vector.broadcast %mul3A_61 : i32 to vector<16xi32>
    %add3A_604 = arith.addi %get3A_602, %add3A_603 : vector<16xi32>
    %swap3A_605 = arith.constant 2 : i32
    %swap3A_606 = arith.index_cast %swap3A_605 : i32 to index
    %swap3A_607 = arith.constant 112 : index
    %swap3A_608 = tpu.vector_load %arg5[%swap3A_606, %swap3A_607] {strides = array<i32>} : memref<4x128xi32, #tpu.memory_space<vmem>>, vector<1x16xi32>,
    %swap3A_609 = vector.shape_cast %swap3A_608 : vector<1x16xi32> to vector<16xi32>
    %swap3A_610 = vector.shape_cast %add3A_604 : vector<16xi32> to vector<1x16xi32>
    tpu.vector_store %arg5[%swap3A_606, %swap3A_607], %swap3A_610 {strides = array<i32>} : memref<4x128xi32, #tpu.memory_space<vmem>>, vector<1x16xi32>,
    %get3A_611 = arith.constant 3 : i32
    %get3A_612 = arith.index_cast %get3A_611 : i32 to index
    %get3A_613 = arith.constant 0 : index
    %get3A_614 = tpu.vector_load %arg5[%get3A_612, %get3A_613] {strides = array<i32>} : memref<4x128xi32, #tpu.memory_space<vmem>>, vector<1x16xi32>,
    %get3A_615 = vector.shape_cast %get3A_614 : vector<1x16xi32> to vector<16xi32>
    %add3A_616 = vector.broadcast %mul3A_61 : i32 to vector<16xi32>
    %add3A_617 = arith.addi %get3A_615, %add3A_616 : vector<16xi32>
    %swap3A_618 = arith.constant 3 : i32
    %swap3A_619 = arith.index_cast %swap3A_618 : i32 to index
    %swap3A_620 = arith.constant 0 : index
    %swap3A_621 = tpu.vector_load %arg5[%swap3A_619, %swap3A_620] {strides = array<i32>} : memref<4x128xi32, #tpu.memory_space<vmem>>, vector<1x16xi32>,
    %swap3A_622 = vector.shape_cast %swap3A_621 : vector<1x16xi32> to vector<16xi32>
    %swap3A_623 = vector.shape_cast %add3A_617 : vector<16xi32> to vector<1x16xi32>
    tpu.vector_store %arg5[%swap3A_619, %swap3A_620], %swap3A_623 {strides = array<i32>} : memref<4x128xi32, #tpu.memory_space<vmem>>, vector<1x16xi32>,
    %get3A_624 = arith.constant 3 : i32
    %get3A_625 = arith.index_cast %get3A_624 : i32 to index
    %get3A_626 = arith.constant 16 : index
    %get3A_627 = tpu.vector_load %arg5[%get3A_625, %get3A_626] {strides = array<i32>} : memref<4x128xi32, #tpu.memory_space<vmem>>, vector<1x16xi32>,
    %get3A_628 = vector.shape_cast %get3A_627 : vector<1x16xi32> to vector<16xi32>
    %add3A_629 = vector.broadcast %mul3A_61 : i32 to vector<16xi32>
    %add3A_630 = arith.addi %get3A_628, %add3A_629 : vector<16xi32>
    %swap3A_631 = arith.constant 3 : i32
    %swap3A_632 = arith.index_cast %swap3A_631 : i32 to index
    %swap3A_633 = arith.constant 16 : index
    %swap3A_634 = tpu.vector_load %arg5[%swap3A_632, %swap3A_633] {strides = array<i32>} : memref<4x128xi32, #tpu.memory_space<vmem>>, vector<1x16xi32>,
    %swap3A_635 = vector.shape_cast %swap3A_634 : vector<1x16xi32> to vector<16xi32>
    %swap3A_636 = vector.shape_cast %add3A_630 : vector<16xi32> to vector<1x16xi32>
    tpu.vector_store %arg5[%swap3A_632, %swap3A_633], %swap3A_636 {strides = array<i32>} : memref<4x128xi32, #tpu.memory_space<vmem>>, vector<1x16xi32>,
    %get3A_637 = arith.constant 3 : i32
    %get3A_638 = arith.index_cast %get3A_637 : i32 to index
    %get3A_639 = arith.constant 32 : index
    %get3A_640 = tpu.vector_load %arg5[%get3A_638, %get3A_639] {strides = array<i32>} : memref<4x128xi32, #tpu.memory_space<vmem>>, vector<1x16xi32>,
    %get3A_641 = vector.shape_cast %get3A_640 : vector<1x16xi32> to vector<16xi32>
    %add3A_642 = vector.broadcast %mul3A_61 : i32 to vector<16xi32>
    %add3A_643 = arith.addi %get3A_641, %add3A_642 : vector<16xi32>
    %swap3A_644 = arith.constant 3 : i32
    %swap3A_645 = arith.index_cast %swap3A_644 : i32 to index
    %swap3A_646 = arith.constant 32 : index
    %swap3A_647 = tpu.vector_load %arg5[%swap3A_645, %swap3A_646] {strides = array<i32>} : memref<4x128xi32, #tpu.memory_space<vmem>>, vector<1x16xi32>,
    %swap3A_648 = vector.shape_cast %swap3A_647 : vector<1x16xi32> to vector<16xi32>
    %swap3A_649 = vector.shape_cast %add3A_643 : vector<16xi32> to vector<1x16xi32>
    tpu.vector_store %arg5[%swap3A_645, %swap3A_646], %swap3A_649 {strides = array<i32>} : memref<4x128xi32, #tpu.memory_space<vmem>>, vector<1x16xi32>,
    %get3A_650 = arith.constant 3 : i32
    %get3A_651 = arith.index_cast %get3A_650 : i32 to index
    %get3A_652 = arith.constant 48 : index
    %get3A_653 = tpu.vector_load %arg5[%get3A_651, %get3A_652] {strides = array<i32>} : memref<4x128xi32, #tpu.memory_space<vmem>>, vector<1x16xi32>,
    %get3A_654 = vector.shape_cast %get3A_653 : vector<1x16xi32> to vector<16xi32>
    %add3A_655 = vector.broadcast %mul3A_61 : i32 to vector<16xi32>
    %add3A_656 = arith.addi %get3A_654, %add3A_655 : vector<16xi32>
    %swap3A_657 = arith.constant 3 : i32
    %swap3A_658 = arith.index_cast %swap3A_657 : i32 to index
    %swap3A_659 = arith.constant 48 : index
    %swap3A_660 = tpu.vector_load %arg5[%swap3A_658, %swap3A_659] {strides = array<i32>} : memref<4x128xi32, #tpu.memory_space<vmem>>, vector<1x16xi32>,
    %swap3A_661 = vector.shape_cast %swap3A_660 : vector<1x16xi32> to vector<16xi32>
    %swap3A_662 = vector.shape_cast %add3A_656 : vector<16xi32> to vector<1x16xi32>
    tpu.vector_store %arg5[%swap3A_658, %swap3A_659], %swap3A_662 {strides = array<i32>} : memref<4x128xi32, #tpu.memory_space<vmem>>, vector<1x16xi32>,
    %get3A_663 = arith.constant 3 : i32
    %get3A_664 = arith.index_cast %get3A_663 : i32 to index
    %get3A_665 = arith.constant 64 : index
    %get3A_666 = tpu.vector_load %arg5[%get3A_664, %get3A_665] {strides = array<i32>} : memref<4x128xi32, #tpu.memory_space<vmem>>, vector<1x16xi32>,
    %get3A_667 = vector.shape_cast %get3A_666 : vector<1x16xi32> to vector<16xi32>
    %add3A_668 = vector.broadcast %mul3A_61 : i32 to vector<16xi32>
    %add3A_669 = arith.addi %get3A_667, %add3A_668 : vector<16xi32>
    %swap3A_670 = arith.constant 3 : i32
    %swap3A_671 = arith.index_cast %swap3A_670 : i32 to index
    %swap3A_672 = arith.constant 64 : index
    %swap3A_673 = tpu.vector_load %arg5[%swap3A_671, %swap3A_672] {strides = array<i32>} : memref<4x128xi32, #tpu.memory_space<vmem>>, vector<1x16xi32>,
    %swap3A_674 = vector.shape_cast %swap3A_673 : vector<1x16xi32> to vector<16xi32>
    %swap3A_675 = vector.shape_cast %add3A_669 : vector<16xi32> to vector<1x16xi32>
    tpu.vector_store %arg5[%swap3A_671, %swap3A_672], %swap3A_675 {strides = array<i32>} : memref<4x128xi32, #tpu.memory_space<vmem>>, vector<1x16xi32>,
    %get3A_676 = arith.constant 3 : i32
    %get3A_677 = arith.index_cast %get3A_676 : i32 to index
    %get3A_678 = arith.constant 80 : index
    %get3A_679 = tpu.vector_load %arg5[%get3A_677, %get3A_678] {strides = array<i32>} : memref<4x128xi32, #tpu.memory_space<vmem>>, vector<1x16xi32>,
    %get3A_680 = vector.shape_cast %get3A_679 : vector<1x16xi32> to vector<16xi32>
    %add3A_681 = vector.broadcast %mul3A_61 : i32 to vector<16xi32>
    %add3A_682 = arith.addi %get3A_680, %add3A_681 : vector<16xi32>
    %swap3A_683 = arith.constant 3 : i32
    %swap3A_684 = arith.index_cast %swap3A_683 : i32 to index
    %swap3A_685 = arith.constant 80 : index
    %swap3A_686 = tpu.vector_load %arg5[%swap3A_684, %swap3A_685] {strides = array<i32>} : memref<4x128xi32, #tpu.memory_space<vmem>>, vector<1x16xi32>,
    %swap3A_687 = vector.shape_cast %swap3A_686 : vector<1x16xi32> to vector<16xi32>
    %swap3A_688 = vector.shape_cast %add3A_682 : vector<16xi32> to vector<1x16xi32>
    tpu.vector_store %arg5[%swap3A_684, %swap3A_685], %swap3A_688 {strides = array<i32>} : memref<4x128xi32, #tpu.memory_space<vmem>>, vector<1x16xi32>,
    %get3A_689 = arith.constant 3 : i32
    %get3A_690 = arith.index_cast %get3A_689 : i32 to index
    %get3A_691 = arith.constant 96 : index
    %get3A_692 = tpu.vector_load %arg5[%get3A_690, %get3A_691] {strides = array<i32>} : memref<4x128xi32, #tpu.memory_space<vmem>>, vector<1x16xi32>,
    %get3A_693 = vector.shape_cast %get3A_692 : vector<1x16xi32> to vector<16xi32>
    %add3A_694 = vector.broadcast %mul3A_61 : i32 to vector<16xi32>
    %add3A_695 = arith.addi %get3A_693, %add3A_694 : vector<16xi32>
    %swap3A_696 = arith.constant 3 : i32
    %swap3A_697 = arith.index_cast %swap3A_696 : i32 to index
    %swap3A_698 = arith.constant 96 : index
    %swap3A_699 = tpu.vector_load %arg5[%swap3A_697, %swap3A_698] {strides = array<i32>} : memref<4x128xi32, #tpu.memory_space<vmem>>, vector<1x16xi32>,
    %swap3A_700 = vector.shape_cast %swap3A_699 : vector<1x16xi32> to vector<16xi32>
    %swap3A_701 = vector.shape_cast %add3A_695 : vector<16xi32> to vector<1x16xi32>
    tpu.vector_store %arg5[%swap3A_697, %swap3A_698], %swap3A_701 {strides = array<i32>} : memref<4x128xi32, #tpu.memory_space<vmem>>, vector<1x16xi32>,
    %get3A_702 = arith.constant 3 : i32
    %get3A_703 = arith.index_cast %get3A_702 : i32 to index
    %get3A_704 = arith.constant 112 : index
    %get3A_705 = tpu.vector_load %arg5[%get3A_703, %get3A_704] {strides = array<i32>} : memref<4x128xi32, #tpu.memory_space<vmem>>, vector<1x16xi32>,
    %get3A_706 = vector.shape_cast %get3A_705 : vector<1x16xi32> to vector<16xi32>
    %add3A_707 = vector.broadcast %mul3A_61 : i32 to vector<16xi32>
    %add3A_708 = arith.addi %get3A_706, %add3A_707 : vector<16xi32>
    %swap3A_709 = arith.constant 3 : i32
    %swap3A_710 = arith.index_cast %swap3A_709 : i32 to index
    %swap3A_711 = arith.constant 112 : index
    %swap3A_712 = tpu.vector_load %arg5[%swap3A_710, %swap3A_711] {strides = array<i32>} : memref<4x128xi32, #tpu.memory_space<vmem>>, vector<1x16xi32>,
    %swap3A_713 = vector.shape_cast %swap3A_712 : vector<1x16xi32> to vector<16xi32>
    %swap3A_714 = vector.shape_cast %add3A_708 : vector<16xi32> to vector<1x16xi32>
    tpu.vector_store %arg5[%swap3A_710, %swap3A_711], %swap3A_714 {strides = array<i32>} : memref<4x128xi32, #tpu.memory_space<vmem>>, vector<1x16xi32>,
    %mul3A_715 = arith.constant 512 : i32
    %mul3A_716 = arith.muli %arg1, %mul3A_715 : i32
    "tpu.region"() ({
      %run_scoped3A_1218 = tpu.sem_alloc : memref<!tpu.dma_semaphore, #tpu.memory_space<semaphore_mem>>
      %dma_start3A = tpu.memref_slice %arg11[%mul3A_716] : memref<8192xf32, #tpu.memory_space<vmem_shared>> -> memref<512xf32, #tpu.memory_space<vmem_shared>>
      %dma_start3A_1219 = tpu.memref_slice %arg11[%mul3A_716] : memref<8192xf32, #tpu.memory_space<vmem_shared>> -> memref<512xf32, #tpu.memory_space<vmem_shared>>
      tpu.enqueue_dma source(%arg9 : memref<512xf32, #tpu.memory_space<vmem>>) target(%dma_start3A_1219 : memref<512xf32, #tpu.memory_space<vmem_shared>>) target_semaphore(%run_scoped3A_1218 : memref<!tpu.dma_semaphore, #tpu.memory_space<semaphore_mem>>)
      %dma_wait3A = tpu.memref_slice %arg11[%mul3A_716] : memref<8192xf32, #tpu.memory_space<vmem_shared>> -> memref<512xf32, #tpu.memory_space<vmem_shared>>
      %dma_wait3A_1220 = tpu.memref_slice %arg11[%mul3A_716] : memref<8192xf32, #tpu.memory_space<vmem_shared>> -> memref<512xf32, #tpu.memory_space<vmem_shared>>
      tpu.wait_dma2 semaphore(%run_scoped3A_1218 : memref<!tpu.dma_semaphore, #tpu.memory_space<semaphore_mem>>) src(%arg9 : memref<512xf32, #tpu.memory_space<vmem>>) dst(%dma_wait3A_1220 : memref<512xf32, #tpu.memory_space<vmem_shared>>)
      tpu.yield
    }) : () -> ()
    %barrier3A = arith.constant 0 : index
    tpu.barrier barrier_id(%barrier3A)
    %run_scoped3A = arith.constant 0 : i32
    "tpu.region"() ({
      %run_scoped3A_1218 = tpu.sem_alloc : memref<!tpu.dma_semaphore, #tpu.memory_space<semaphore_mem>>
      %dma_start3A = arith.constant 0 : i32
      %dma_start3A_1219 = tpu.memref_slice %arg5[%run_scoped3A, %dma_start3A] : memref<4x128xi32, #tpu.memory_space<vmem>> -> memref<1x128xi32, #tpu.memory_space<vmem>>
      %dma_start3A_1220 = tpu.memref_squeeze %dma_start3A_1219 : memref<1x128xi32, #tpu.memory_space<vmem>> -> memref<128xi32, #tpu.memory_space<vmem>>
      %dma_start3A_1221 = arith.constant 0 : i32
      %dma_start3A_1222 = tpu.memref_slice %arg11[%dma_start3A_1221] : memref<8192xf32, #tpu.memory_space<vmem_shared>> -> memref<8192xf32, #tpu.memory_space<vmem_shared>>
      tpu.enqueue_indirect_dma source(%arg8 : memref<128xf32, #tpu.memory_space<vmem>>) target(%dma_start3A_1222 : memref<8192xf32, #tpu.memory_space<vmem_shared>>) offsets(%dma_start3A_1220 : memref<128xi32, #tpu.memory_space<vmem>>) semaphore(%run_scoped3A_1218 : memref<!tpu.dma_semaphore, #tpu.memory_space<semaphore_mem>>) {add = true}
      %dma_wait3A = arith.constant 0 : i32
      %dma_wait3A_1223 = tpu.memref_slice %arg5[%run_scoped3A, %dma_wait3A] : memref<4x128xi32, #tpu.memory_space<vmem>> -> memref<1x128xi32, #tpu.memory_space<vmem>>
      %dma_wait3A_1224 = tpu.memref_squeeze %dma_wait3A_1223 : memref<1x128xi32, #tpu.memory_space<vmem>> -> memref<128xi32, #tpu.memory_space<vmem>>
      %dma_wait3A_1225 = arith.constant 0 : i32
      %dma_wait3A_1226 = tpu.memref_slice %arg11[%dma_wait3A_1225] : memref<8192xf32, #tpu.memory_space<vmem_shared>> -> memref<8192xf32, #tpu.memory_space<vmem_shared>>
      tpu.wait_indirect_dma semaphore(%run_scoped3A_1218 : memref<!tpu.dma_semaphore, #tpu.memory_space<semaphore_mem>>) src(%arg8 : memref<128xf32, #tpu.memory_space<vmem>>) dst(%dma_wait3A_1226 : memref<8192xf32, #tpu.memory_space<vmem_shared>>)
      tpu.yield
    }) : () -> ()
    %run_scoped3A_717 = arith.constant 1 : i32
    "tpu.region"() ({
      %run_scoped3A_1218 = tpu.sem_alloc : memref<!tpu.dma_semaphore, #tpu.memory_space<semaphore_mem>>
      %dma_start3A = arith.constant 0 : i32
      %dma_start3A_1219 = tpu.memref_slice %arg5[%run_scoped3A_717, %dma_start3A] : memref<4x128xi32, #tpu.memory_space<vmem>> -> memref<1x128xi32, #tpu.memory_space<vmem>>
      %dma_start3A_1220 = tpu.memref_squeeze %dma_start3A_1219 : memref<1x128xi32, #tpu.memory_space<vmem>> -> memref<128xi32, #tpu.memory_space<vmem>>
      %dma_start3A_1221 = arith.constant 0 : i32
      %dma_start3A_1222 = tpu.memref_slice %arg11[%dma_start3A_1221] : memref<8192xf32, #tpu.memory_space<vmem_shared>> -> memref<8192xf32, #tpu.memory_space<vmem_shared>>
      tpu.enqueue_indirect_dma source(%arg8 : memref<128xf32, #tpu.memory_space<vmem>>) target(%dma_start3A_1222 : memref<8192xf32, #tpu.memory_space<vmem_shared>>) offsets(%dma_start3A_1220 : memref<128xi32, #tpu.memory_space<vmem>>) semaphore(%run_scoped3A_1218 : memref<!tpu.dma_semaphore, #tpu.memory_space<semaphore_mem>>) {add = true}
      %dma_wait3A = arith.constant 0 : i32
      %dma_wait3A_1223 = tpu.memref_slice %arg5[%run_scoped3A_717, %dma_wait3A] : memref<4x128xi32, #tpu.memory_space<vmem>> -> memref<1x128xi32, #tpu.memory_space<vmem>>
      %dma_wait3A_1224 = tpu.memref_squeeze %dma_wait3A_1223 : memref<1x128xi32, #tpu.memory_space<vmem>> -> memref<128xi32, #tpu.memory_space<vmem>>
      %dma_wait3A_1225 = arith.constant 0 : i32
      %dma_wait3A_1226 = tpu.memref_slice %arg11[%dma_wait3A_1225] : memref<8192xf32, #tpu.memory_space<vmem_shared>> -> memref<8192xf32, #tpu.memory_space<vmem_shared>>
      tpu.wait_indirect_dma semaphore(%run_scoped3A_1218 : memref<!tpu.dma_semaphore, #tpu.memory_space<semaphore_mem>>) src(%arg8 : memref<128xf32, #tpu.memory_space<vmem>>) dst(%dma_wait3A_1226 : memref<8192xf32, #tpu.memory_space<vmem_shared>>)
      tpu.yield
    }) : () -> ()
    %run_scoped3A_718 = arith.constant 2 : i32
    "tpu.region"() ({
      %run_scoped3A_1218 = tpu.sem_alloc : memref<!tpu.dma_semaphore, #tpu.memory_space<semaphore_mem>>
      %dma_start3A = arith.constant 0 : i32
      %dma_start3A_1219 = tpu.memref_slice %arg5[%run_scoped3A_718, %dma_start3A] : memref<4x128xi32, #tpu.memory_space<vmem>> -> memref<1x128xi32, #tpu.memory_space<vmem>>
      %dma_start3A_1220 = tpu.memref_squeeze %dma_start3A_1219 : memref<1x128xi32, #tpu.memory_space<vmem>> -> memref<128xi32, #tpu.memory_space<vmem>>
      %dma_start3A_1221 = arith.constant 0 : i32
      %dma_start3A_1222 = tpu.memref_slice %arg11[%dma_start3A_1221] : memref<8192xf32, #tpu.memory_space<vmem_shared>> -> memref<8192xf32, #tpu.memory_space<vmem_shared>>
      tpu.enqueue_indirect_dma source(%arg8 : memref<128xf32, #tpu.memory_space<vmem>>) target(%dma_start3A_1222 : memref<8192xf32, #tpu.memory_space<vmem_shared>>) offsets(%dma_start3A_1220 : memref<128xi32, #tpu.memory_space<vmem>>) semaphore(%run_scoped3A_1218 : memref<!tpu.dma_semaphore, #tpu.memory_space<semaphore_mem>>) {add = true}
      %dma_wait3A = arith.constant 0 : i32
      %dma_wait3A_1223 = tpu.memref_slice %arg5[%run_scoped3A_718, %dma_wait3A] : memref<4x128xi32, #tpu.memory_space<vmem>> -> memref<1x128xi32, #tpu.memory_space<vmem>>
      %dma_wait3A_1224 = tpu.memref_squeeze %dma_wait3A_1223 : memref<1x128xi32, #tpu.memory_space<vmem>> -> memref<128xi32, #tpu.memory_space<vmem>>
      %dma_wait3A_1225 = arith.constant 0 : i32
      %dma_wait3A_1226 = tpu.memref_slice %arg11[%dma_wait3A_1225] : memref<8192xf32, #tpu.memory_space<vmem_shared>> -> memref<8192xf32, #tpu.memory_space<vmem_shared>>
      tpu.wait_indirect_dma semaphore(%run_scoped3A_1218 : memref<!tpu.dma_semaphore, #tpu.memory_space<semaphore_mem>>) src(%arg8 : memref<128xf32, #tpu.memory_space<vmem>>) dst(%dma_wait3A_1226 : memref<8192xf32, #tpu.memory_space<vmem_shared>>)
      tpu.yield
    }) : () -> ()
    %run_scoped3A_719 = arith.constant 3 : i32
    "tpu.region"() ({
      %run_scoped3A_1218 = tpu.sem_alloc : memref<!tpu.dma_semaphore, #tpu.memory_space<semaphore_mem>>
      %dma_start3A = arith.constant 0 : i32
      %dma_start3A_1219 = tpu.memref_slice %arg5[%run_scoped3A_719, %dma_start3A] : memref<4x128xi32, #tpu.memory_space<vmem>> -> memref<1x128xi32, #tpu.memory_space<vmem>>
      %dma_start3A_1220 = tpu.memref_squeeze %dma_start3A_1219 : memref<1x128xi32, #tpu.memory_space<vmem>> -> memref<128xi32, #tpu.memory_space<vmem>>
      %dma_start3A_1221 = arith.constant 0 : i32
      %dma_start3A_1222 = tpu.memref_slice %arg11[%dma_start3A_1221] : memref<8192xf32, #tpu.memory_space<vmem_shared>> -> memref<8192xf32, #tpu.memory_space<vmem_shared>>
      tpu.enqueue_indirect_dma source(%arg8 : memref<128xf32, #tpu.memory_space<vmem>>) target(%dma_start3A_1222 : memref<8192xf32, #tpu.memory_space<vmem_shared>>) offsets(%dma_start3A_1220 : memref<128xi32, #tpu.memory_space<vmem>>) semaphore(%run_scoped3A_1218 : memref<!tpu.dma_semaphore, #tpu.memory_space<semaphore_mem>>) {add = true}
      %dma_wait3A = arith.constant 0 : i32
      %dma_wait3A_1223 = tpu.memref_slice %arg5[%run_scoped3A_719, %dma_wait3A] : memref<4x128xi32, #tpu.memory_space<vmem>> -> memref<1x128xi32, #tpu.memory_space<vmem>>
      %dma_wait3A_1224 = tpu.memref_squeeze %dma_wait3A_1223 : memref<1x128xi32, #tpu.memory_space<vmem>> -> memref<128xi32, #tpu.memory_space<vmem>>
      %dma_wait3A_1225 = arith.constant 0 : i32
      %dma_wait3A_1226 = tpu.memref_slice %arg11[%dma_wait3A_1225] : memref<8192xf32, #tpu.memory_space<vmem_shared>> -> memref<8192xf32, #tpu.memory_space<vmem_shared>>
      tpu.wait_indirect_dma semaphore(%run_scoped3A_1218 : memref<!tpu.dma_semaphore, #tpu.memory_space<semaphore_mem>>) src(%arg8 : memref<128xf32, #tpu.memory_space<vmem>>) dst(%dma_wait3A_1226 : memref<8192xf32, #tpu.memory_space<vmem_shared>>)
      tpu.yield
    }) : () -> ()
    %barrier3A_720 = arith.constant 0 : index
    tpu.barrier barrier_id(%barrier3A_720)
    %run_scoped3A_721 = arith.constant 0 : i32
    %run_scoped3A_722 = arith.constant 0 : i32
    "tpu.region"() ({
      %run_scoped3A_1218 = tpu.sem_alloc : memref<!tpu.dma_semaphore, #tpu.memory_space<semaphore_mem>>
      %dma_start3A = arith.constant 0 : i32
      %dma_start3A_1219 = tpu.memref_slice %arg7[%run_scoped3A_722, %dma_start3A] : memref<4x128xf32, #tpu.memory_space<vmem>> -> memref<1x128xf32, #tpu.memory_space<vmem>>
      %dma_start3A_1220 = tpu.memref_squeeze %dma_start3A_1219 : memref<1x128xf32, #tpu.memory_space<vmem>> -> memref<128xf32, #tpu.memory_space<vmem>>
      %dma_start3A_1221 = arith.constant 0 : i32
      %dma_start3A_1222 = tpu.memref_slice %arg5[%run_scoped3A_721, %dma_start3A_1221] : memref<4x128xi32, #tpu.memory_space<vmem>> -> memref<1x128xi32, #tpu.memory_space<vmem>>
      %dma_start3A_1223 = tpu.memref_squeeze %dma_start3A_1222 : memref<1x128xi32, #tpu.memory_space<vmem>> -> memref<128xi32, #tpu.memory_space<vmem>>
      %dma_start3A_1224 = arith.constant 0 : i32
      %dma_start3A_1225 = tpu.memref_slice %arg11[%dma_start3A_1224] : memref<8192xf32, #tpu.memory_space<vmem_shared>> -> memref<8192xf32, #tpu.memory_space<vmem_shared>>
      tpu.enqueue_indirect_dma source(%dma_start3A_1225 : memref<8192xf32, #tpu.memory_space<vmem_shared>>) target(%dma_start3A_1220 : memref<128xf32, #tpu.memory_space<vmem>>) offsets(%dma_start3A_1223 : memref<128xi32, #tpu.memory_space<vmem>>) semaphore(%run_scoped3A_1218 : memref<!tpu.dma_semaphore, #tpu.memory_space<semaphore_mem>>)
      %dma_wait3A = arith.constant 0 : i32
      %dma_wait3A_1226 = tpu.memref_slice %arg7[%run_scoped3A_722, %dma_wait3A] : memref<4x128xf32, #tpu.memory_space<vmem>> -> memref<1x128xf32, #tpu.memory_space<vmem>>
      %dma_wait3A_1227 = tpu.memref_squeeze %dma_wait3A_1226 : memref<1x128xf32, #tpu.memory_space<vmem>> -> memref<128xf32, #tpu.memory_space<vmem>>
      %dma_wait3A_1228 = arith.constant 0 : i32
      %dma_wait3A_1229 = tpu.memref_slice %arg5[%run_scoped3A_721, %dma_wait3A_1228] : memref<4x128xi32, #tpu.memory_space<vmem>> -> memref<1x128xi32, #tpu.memory_space<vmem>>
      %dma_wait3A_1230 = tpu.memref_squeeze %dma_wait3A_1229 : memref<1x128xi32, #tpu.memory_space<vmem>> -> memref<128xi32, #tpu.memory_space<vmem>>
      %dma_wait3A_1231 = arith.constant 0 : i32
      %dma_wait3A_1232 = tpu.memref_slice %arg11[%dma_wait3A_1231] : memref<8192xf32, #tpu.memory_space<vmem_shared>> -> memref<8192xf32, #tpu.memory_space<vmem_shared>>
      tpu.wait_indirect_dma semaphore(%run_scoped3A_1218 : memref<!tpu.dma_semaphore, #tpu.memory_space<semaphore_mem>>) src(%dma_wait3A_1232 : memref<8192xf32, #tpu.memory_space<vmem_shared>>) dst(%dma_wait3A_1227 : memref<128xf32, #tpu.memory_space<vmem>>)
      tpu.yield
    }) : () -> ()
    %run_scoped3A_723 = arith.constant 1 : i32
    %run_scoped3A_724 = arith.constant 1 : i32
    "tpu.region"() ({
      %run_scoped3A_1218 = tpu.sem_alloc : memref<!tpu.dma_semaphore, #tpu.memory_space<semaphore_mem>>
      %dma_start3A = arith.constant 0 : i32
      %dma_start3A_1219 = tpu.memref_slice %arg7[%run_scoped3A_724, %dma_start3A] : memref<4x128xf32, #tpu.memory_space<vmem>> -> memref<1x128xf32, #tpu.memory_space<vmem>>
      %dma_start3A_1220 = tpu.memref_squeeze %dma_start3A_1219 : memref<1x128xf32, #tpu.memory_space<vmem>> -> memref<128xf32, #tpu.memory_space<vmem>>
      %dma_start3A_1221 = arith.constant 0 : i32
      %dma_start3A_1222 = tpu.memref_slice %arg5[%run_scoped3A_723, %dma_start3A_1221] : memref<4x128xi32, #tpu.memory_space<vmem>> -> memref<1x128xi32, #tpu.memory_space<vmem>>
      %dma_start3A_1223 = tpu.memref_squeeze %dma_start3A_1222 : memref<1x128xi32, #tpu.memory_space<vmem>> -> memref<128xi32, #tpu.memory_space<vmem>>
      %dma_start3A_1224 = arith.constant 0 : i32
      %dma_start3A_1225 = tpu.memref_slice %arg11[%dma_start3A_1224] : memref<8192xf32, #tpu.memory_space<vmem_shared>> -> memref<8192xf32, #tpu.memory_space<vmem_shared>>
      tpu.enqueue_indirect_dma source(%dma_start3A_1225 : memref<8192xf32, #tpu.memory_space<vmem_shared>>) target(%dma_start3A_1220 : memref<128xf32, #tpu.memory_space<vmem>>) offsets(%dma_start3A_1223 : memref<128xi32, #tpu.memory_space<vmem>>) semaphore(%run_scoped3A_1218 : memref<!tpu.dma_semaphore, #tpu.memory_space<semaphore_mem>>)
      %dma_wait3A = arith.constant 0 : i32
      %dma_wait3A_1226 = tpu.memref_slice %arg7[%run_scoped3A_724, %dma_wait3A] : memref<4x128xf32, #tpu.memory_space<vmem>> -> memref<1x128xf32, #tpu.memory_space<vmem>>
      %dma_wait3A_1227 = tpu.memref_squeeze %dma_wait3A_1226 : memref<1x128xf32, #tpu.memory_space<vmem>> -> memref<128xf32, #tpu.memory_space<vmem>>
      %dma_wait3A_1228 = arith.constant 0 : i32
      %dma_wait3A_1229 = tpu.memref_slice %arg5[%run_scoped3A_723, %dma_wait3A_1228] : memref<4x128xi32, #tpu.memory_space<vmem>> -> memref<1x128xi32, #tpu.memory_space<vmem>>
      %dma_wait3A_1230 = tpu.memref_squeeze %dma_wait3A_1229 : memref<1x128xi32, #tpu.memory_space<vmem>> -> memref<128xi32, #tpu.memory_space<vmem>>
      %dma_wait3A_1231 = arith.constant 0 : i32
      %dma_wait3A_1232 = tpu.memref_slice %arg11[%dma_wait3A_1231] : memref<8192xf32, #tpu.memory_space<vmem_shared>> -> memref<8192xf32, #tpu.memory_space<vmem_shared>>
      tpu.wait_indirect_dma semaphore(%run_scoped3A_1218 : memref<!tpu.dma_semaphore, #tpu.memory_space<semaphore_mem>>) src(%dma_wait3A_1232 : memref<8192xf32, #tpu.memory_space<vmem_shared>>) dst(%dma_wait3A_1227 : memref<128xf32, #tpu.memory_space<vmem>>)
      tpu.yield
    }) : () -> ()
    %run_scoped3A_725 = arith.constant 2 : i32
    %run_scoped3A_726 = arith.constant 2 : i32
    "tpu.region"() ({
      %run_scoped3A_1218 = tpu.sem_alloc : memref<!tpu.dma_semaphore, #tpu.memory_space<semaphore_mem>>
      %dma_start3A = arith.constant 0 : i32
      %dma_start3A_1219 = tpu.memref_slice %arg7[%run_scoped3A_726, %dma_start3A] : memref<4x128xf32, #tpu.memory_space<vmem>> -> memref<1x128xf32, #tpu.memory_space<vmem>>
      %dma_start3A_1220 = tpu.memref_squeeze %dma_start3A_1219 : memref<1x128xf32, #tpu.memory_space<vmem>> -> memref<128xf32, #tpu.memory_space<vmem>>
      %dma_start3A_1221 = arith.constant 0 : i32
      %dma_start3A_1222 = tpu.memref_slice %arg5[%run_scoped3A_725, %dma_start3A_1221] : memref<4x128xi32, #tpu.memory_space<vmem>> -> memref<1x128xi32, #tpu.memory_space<vmem>>
      %dma_start3A_1223 = tpu.memref_squeeze %dma_start3A_1222 : memref<1x128xi32, #tpu.memory_space<vmem>> -> memref<128xi32, #tpu.memory_space<vmem>>
      %dma_start3A_1224 = arith.constant 0 : i32
      %dma_start3A_1225 = tpu.memref_slice %arg11[%dma_start3A_1224] : memref<8192xf32, #tpu.memory_space<vmem_shared>> -> memref<8192xf32, #tpu.memory_space<vmem_shared>>
      tpu.enqueue_indirect_dma source(%dma_start3A_1225 : memref<8192xf32, #tpu.memory_space<vmem_shared>>) target(%dma_start3A_1220 : memref<128xf32, #tpu.memory_space<vmem>>) offsets(%dma_start3A_1223 : memref<128xi32, #tpu.memory_space<vmem>>) semaphore(%run_scoped3A_1218 : memref<!tpu.dma_semaphore, #tpu.memory_space<semaphore_mem>>)
      %dma_wait3A = arith.constant 0 : i32
      %dma_wait3A_1226 = tpu.memref_slice %arg7[%run_scoped3A_726, %dma_wait3A] : memref<4x128xf32, #tpu.memory_space<vmem>> -> memref<1x128xf32, #tpu.memory_space<vmem>>
      %dma_wait3A_1227 = tpu.memref_squeeze %dma_wait3A_1226 : memref<1x128xf32, #tpu.memory_space<vmem>> -> memref<128xf32, #tpu.memory_space<vmem>>
      %dma_wait3A_1228 = arith.constant 0 : i32
      %dma_wait3A_1229 = tpu.memref_slice %arg5[%run_scoped3A_725, %dma_wait3A_1228] : memref<4x128xi32, #tpu.memory_space<vmem>> -> memref<1x128xi32, #tpu.memory_space<vmem>>
      %dma_wait3A_1230 = tpu.memref_squeeze %dma_wait3A_1229 : memref<1x128xi32, #tpu.memory_space<vmem>> -> memref<128xi32, #tpu.memory_space<vmem>>
      %dma_wait3A_1231 = arith.constant 0 : i32
      %dma_wait3A_1232 = tpu.memref_slice %arg11[%dma_wait3A_1231] : memref<8192xf32, #tpu.memory_space<vmem_shared>> -> memref<8192xf32, #tpu.memory_space<vmem_shared>>
      tpu.wait_indirect_dma semaphore(%run_scoped3A_1218 : memref<!tpu.dma_semaphore, #tpu.memory_space<semaphore_mem>>) src(%dma_wait3A_1232 : memref<8192xf32, #tpu.memory_space<vmem_shared>>) dst(%dma_wait3A_1227 : memref<128xf32, #tpu.memory_space<vmem>>)
      tpu.yield
    }) : () -> ()
    %run_scoped3A_727 = arith.constant 3 : i32
    %run_scoped3A_728 = arith.constant 3 : i32
    "tpu.region"() ({
      %run_scoped3A_1218 = tpu.sem_alloc : memref<!tpu.dma_semaphore, #tpu.memory_space<semaphore_mem>>
      %dma_start3A = arith.constant 0 : i32
      %dma_start3A_1219 = tpu.memref_slice %arg7[%run_scoped3A_728, %dma_start3A] : memref<4x128xf32, #tpu.memory_space<vmem>> -> memref<1x128xf32, #tpu.memory_space<vmem>>
      %dma_start3A_1220 = tpu.memref_squeeze %dma_start3A_1219 : memref<1x128xf32, #tpu.memory_space<vmem>> -> memref<128xf32, #tpu.memory_space<vmem>>
      %dma_start3A_1221 = arith.constant 0 : i32
      %dma_start3A_1222 = tpu.memref_slice %arg5[%run_scoped3A_727, %dma_start3A_1221] : memref<4x128xi32, #tpu.memory_space<vmem>> -> memref<1x128xi32, #tpu.memory_space<vmem>>
      %dma_start3A_1223 = tpu.memref_squeeze %dma_start3A_1222 : memref<1x128xi32, #tpu.memory_space<vmem>> -> memref<128xi32, #tpu.memory_space<vmem>>
      %dma_start3A_1224 = arith.constant 0 : i32
      %dma_start3A_1225 = tpu.memref_slice %arg11[%dma_start3A_1224] : memref<8192xf32, #tpu.memory_space<vmem_shared>> -> memref<8192xf32, #tpu.memory_space<vmem_shared>>
      tpu.enqueue_indirect_dma source(%dma_start3A_1225 : memref<8192xf32, #tpu.memory_space<vmem_shared>>) target(%dma_start3A_1220 : memref<128xf32, #tpu.memory_space<vmem>>) offsets(%dma_start3A_1223 : memref<128xi32, #tpu.memory_space<vmem>>) semaphore(%run_scoped3A_1218 : memref<!tpu.dma_semaphore, #tpu.memory_space<semaphore_mem>>)
      %dma_wait3A = arith.constant 0 : i32
      %dma_wait3A_1226 = tpu.memref_slice %arg7[%run_scoped3A_728, %dma_wait3A] : memref<4x128xf32, #tpu.memory_space<vmem>> -> memref<1x128xf32, #tpu.memory_space<vmem>>
      %dma_wait3A_1227 = tpu.memref_squeeze %dma_wait3A_1226 : memref<1x128xf32, #tpu.memory_space<vmem>> -> memref<128xf32, #tpu.memory_space<vmem>>
      %dma_wait3A_1228 = arith.constant 0 : i32
      %dma_wait3A_1229 = tpu.memref_slice %arg5[%run_scoped3A_727, %dma_wait3A_1228] : memref<4x128xi32, #tpu.memory_space<vmem>> -> memref<1x128xi32, #tpu.memory_space<vmem>>
      %dma_wait3A_1230 = tpu.memref_squeeze %dma_wait3A_1229 : memref<1x128xi32, #tpu.memory_space<vmem>> -> memref<128xi32, #tpu.memory_space<vmem>>
      %dma_wait3A_1231 = arith.constant 0 : i32
      %dma_wait3A_1232 = tpu.memref_slice %arg11[%dma_wait3A_1231] : memref<8192xf32, #tpu.memory_space<vmem_shared>> -> memref<8192xf32, #tpu.memory_space<vmem_shared>>
      tpu.wait_indirect_dma semaphore(%run_scoped3A_1218 : memref<!tpu.dma_semaphore, #tpu.memory_space<semaphore_mem>>) src(%dma_wait3A_1232 : memref<8192xf32, #tpu.memory_space<vmem_shared>>) dst(%dma_wait3A_1227 : memref<128xf32, #tpu.memory_space<vmem>>)
      tpu.yield
    }) : () -> ()
    %broadcast_in_dim3A_729 = arith.constant 0.000000e+00 : f32
    %broadcast_in_dim3A_730 = vector.broadcast %broadcast_in_dim3A_729 : f32 to vector<16xf32>
    %get3A_731 = arith.constant 0 : i32
    %get3A_732 = arith.index_cast %get3A_731 : i32 to index
    %get3A_733 = arith.constant 0 : index
    %get3A_734 = tpu.vector_load %arg6[%get3A_732, %get3A_733] {strides = array<i32>} : memref<4x128xf32, #tpu.memory_space<vmem>>, vector<1x16xf32>,
    %get3A_735 = vector.shape_cast %get3A_734 : vector<1x16xf32> to vector<16xf32>
    %get3A_736 = arith.constant 0 : i32
    %get3A_737 = arith.index_cast %get3A_736 : i32 to index
    %get3A_738 = arith.constant 0 : index
    %get3A_739 = tpu.vector_load %arg7[%get3A_737, %get3A_738] {strides = array<i32>} : memref<4x128xf32, #tpu.memory_space<vmem>>, vector<1x16xf32>,
    %get3A_740 = vector.shape_cast %get3A_739 : vector<1x16xf32> to vector<16xf32>
    %add3A_741 = arith.constant 9.99999997E-7 : f32
    %add3A_742 = vector.broadcast %add3A_741 : f32 to vector<16xf32>
    %add3A_743 = arith.addf %get3A_740, %add3A_742 : vector<16xf32>
    %div3A_744 = arith.divf %get3A_735, %add3A_743 : vector<16xf32>
    %add3A_745 = arith.addf %broadcast_in_dim3A_730, %div3A_744 : vector<16xf32>
    %get3A_746 = arith.constant 0 : i32
    %get3A_747 = arith.index_cast %get3A_746 : i32 to index
    %get3A_748 = arith.constant 16 : index
    %get3A_749 = tpu.vector_load %arg6[%get3A_747, %get3A_748] {strides = array<i32>} : memref<4x128xf32, #tpu.memory_space<vmem>>, vector<1x16xf32>,
    %get3A_750 = vector.shape_cast %get3A_749 : vector<1x16xf32> to vector<16xf32>
    %get3A_751 = arith.constant 0 : i32
    %get3A_752 = arith.index_cast %get3A_751 : i32 to index
    %get3A_753 = arith.constant 16 : index
    %get3A_754 = tpu.vector_load %arg7[%get3A_752, %get3A_753] {strides = array<i32>} : memref<4x128xf32, #tpu.memory_space<vmem>>, vector<1x16xf32>,
    %get3A_755 = vector.shape_cast %get3A_754 : vector<1x16xf32> to vector<16xf32>
    %add3A_756 = arith.constant 9.99999997E-7 : f32
    %add3A_757 = vector.broadcast %add3A_756 : f32 to vector<16xf32>
    %add3A_758 = arith.addf %get3A_755, %add3A_757 : vector<16xf32>
    %div3A_759 = arith.divf %get3A_750, %add3A_758 : vector<16xf32>
    %add3A_760 = arith.addf %add3A_745, %div3A_759 : vector<16xf32>
    %get3A_761 = arith.constant 0 : i32
    %get3A_762 = arith.index_cast %get3A_761 : i32 to index
    %get3A_763 = arith.constant 32 : index
    %get3A_764 = tpu.vector_load %arg6[%get3A_762, %get3A_763] {strides = array<i32>} : memref<4x128xf32, #tpu.memory_space<vmem>>, vector<1x16xf32>,
    %get3A_765 = vector.shape_cast %get3A_764 : vector<1x16xf32> to vector<16xf32>
    %get3A_766 = arith.constant 0 : i32
    %get3A_767 = arith.index_cast %get3A_766 : i32 to index
    %get3A_768 = arith.constant 32 : index
    %get3A_769 = tpu.vector_load %arg7[%get3A_767, %get3A_768] {strides = array<i32>} : memref<4x128xf32, #tpu.memory_space<vmem>>, vector<1x16xf32>,
    %get3A_770 = vector.shape_cast %get3A_769 : vector<1x16xf32> to vector<16xf32>
    %add3A_771 = arith.constant 9.99999997E-7 : f32
    %add3A_772 = vector.broadcast %add3A_771 : f32 to vector<16xf32>
    %add3A_773 = arith.addf %get3A_770, %add3A_772 : vector<16xf32>
    %div3A_774 = arith.divf %get3A_765, %add3A_773 : vector<16xf32>
    %add3A_775 = arith.addf %add3A_760, %div3A_774 : vector<16xf32>
    %get3A_776 = arith.constant 0 : i32
    %get3A_777 = arith.index_cast %get3A_776 : i32 to index
    %get3A_778 = arith.constant 48 : index
    %get3A_779 = tpu.vector_load %arg6[%get3A_777, %get3A_778] {strides = array<i32>} : memref<4x128xf32, #tpu.memory_space<vmem>>, vector<1x16xf32>,
    %get3A_780 = vector.shape_cast %get3A_779 : vector<1x16xf32> to vector<16xf32>
    %get3A_781 = arith.constant 0 : i32
    %get3A_782 = arith.index_cast %get3A_781 : i32 to index
    %get3A_783 = arith.constant 48 : index
    %get3A_784 = tpu.vector_load %arg7[%get3A_782, %get3A_783] {strides = array<i32>} : memref<4x128xf32, #tpu.memory_space<vmem>>, vector<1x16xf32>,
    %get3A_785 = vector.shape_cast %get3A_784 : vector<1x16xf32> to vector<16xf32>
    %add3A_786 = arith.constant 9.99999997E-7 : f32
    %add3A_787 = vector.broadcast %add3A_786 : f32 to vector<16xf32>
    %add3A_788 = arith.addf %get3A_785, %add3A_787 : vector<16xf32>
    %div3A_789 = arith.divf %get3A_780, %add3A_788 : vector<16xf32>
    %add3A_790 = arith.addf %add3A_775, %div3A_789 : vector<16xf32>
    %get3A_791 = arith.constant 0 : i32
    %get3A_792 = arith.index_cast %get3A_791 : i32 to index
    %get3A_793 = arith.constant 64 : index
    %get3A_794 = tpu.vector_load %arg6[%get3A_792, %get3A_793] {strides = array<i32>} : memref<4x128xf32, #tpu.memory_space<vmem>>, vector<1x16xf32>,
    %get3A_795 = vector.shape_cast %get3A_794 : vector<1x16xf32> to vector<16xf32>
    %get3A_796 = arith.constant 0 : i32
    %get3A_797 = arith.index_cast %get3A_796 : i32 to index
    %get3A_798 = arith.constant 64 : index
    %get3A_799 = tpu.vector_load %arg7[%get3A_797, %get3A_798] {strides = array<i32>} : memref<4x128xf32, #tpu.memory_space<vmem>>, vector<1x16xf32>,
    %get3A_800 = vector.shape_cast %get3A_799 : vector<1x16xf32> to vector<16xf32>
    %add3A_801 = arith.constant 9.99999997E-7 : f32
    %add3A_802 = vector.broadcast %add3A_801 : f32 to vector<16xf32>
    %add3A_803 = arith.addf %get3A_800, %add3A_802 : vector<16xf32>
    %div3A_804 = arith.divf %get3A_795, %add3A_803 : vector<16xf32>
    %add3A_805 = arith.addf %add3A_790, %div3A_804 : vector<16xf32>
    %get3A_806 = arith.constant 0 : i32
    %get3A_807 = arith.index_cast %get3A_806 : i32 to index
    %get3A_808 = arith.constant 80 : index
    %get3A_809 = tpu.vector_load %arg6[%get3A_807, %get3A_808] {strides = array<i32>} : memref<4x128xf32, #tpu.memory_space<vmem>>, vector<1x16xf32>,
    %get3A_810 = vector.shape_cast %get3A_809 : vector<1x16xf32> to vector<16xf32>
    %get3A_811 = arith.constant 0 : i32
    %get3A_812 = arith.index_cast %get3A_811 : i32 to index
    %get3A_813 = arith.constant 80 : index
    %get3A_814 = tpu.vector_load %arg7[%get3A_812, %get3A_813] {strides = array<i32>} : memref<4x128xf32, #tpu.memory_space<vmem>>, vector<1x16xf32>,
    %get3A_815 = vector.shape_cast %get3A_814 : vector<1x16xf32> to vector<16xf32>
    %add3A_816 = arith.constant 9.99999997E-7 : f32
    %add3A_817 = vector.broadcast %add3A_816 : f32 to vector<16xf32>
    %add3A_818 = arith.addf %get3A_815, %add3A_817 : vector<16xf32>
    %div3A_819 = arith.divf %get3A_810, %add3A_818 : vector<16xf32>
    %add3A_820 = arith.addf %add3A_805, %div3A_819 : vector<16xf32>
    %get3A_821 = arith.constant 0 : i32
    %get3A_822 = arith.index_cast %get3A_821 : i32 to index
    %get3A_823 = arith.constant 96 : index
    %get3A_824 = tpu.vector_load %arg6[%get3A_822, %get3A_823] {strides = array<i32>} : memref<4x128xf32, #tpu.memory_space<vmem>>, vector<1x16xf32>,
    %get3A_825 = vector.shape_cast %get3A_824 : vector<1x16xf32> to vector<16xf32>
    %get3A_826 = arith.constant 0 : i32
    %get3A_827 = arith.index_cast %get3A_826 : i32 to index
    %get3A_828 = arith.constant 96 : index
    %get3A_829 = tpu.vector_load %arg7[%get3A_827, %get3A_828] {strides = array<i32>} : memref<4x128xf32, #tpu.memory_space<vmem>>, vector<1x16xf32>,
    %get3A_830 = vector.shape_cast %get3A_829 : vector<1x16xf32> to vector<16xf32>
    %add3A_831 = arith.constant 9.99999997E-7 : f32
    %add3A_832 = vector.broadcast %add3A_831 : f32 to vector<16xf32>
    %add3A_833 = arith.addf %get3A_830, %add3A_832 : vector<16xf32>
    %div3A_834 = arith.divf %get3A_825, %add3A_833 : vector<16xf32>
    %add3A_835 = arith.addf %add3A_820, %div3A_834 : vector<16xf32>
    %get3A_836 = arith.constant 0 : i32
    %get3A_837 = arith.index_cast %get3A_836 : i32 to index
    %get3A_838 = arith.constant 112 : index
    %get3A_839 = tpu.vector_load %arg6[%get3A_837, %get3A_838] {strides = array<i32>} : memref<4x128xf32, #tpu.memory_space<vmem>>, vector<1x16xf32>,
    %get3A_840 = vector.shape_cast %get3A_839 : vector<1x16xf32> to vector<16xf32>
    %get3A_841 = arith.constant 0 : i32
    %get3A_842 = arith.index_cast %get3A_841 : i32 to index
    %get3A_843 = arith.constant 112 : index
    %get3A_844 = tpu.vector_load %arg7[%get3A_842, %get3A_843] {strides = array<i32>} : memref<4x128xf32, #tpu.memory_space<vmem>>, vector<1x16xf32>,
    %get3A_845 = vector.shape_cast %get3A_844 : vector<1x16xf32> to vector<16xf32>
    %add3A_846 = arith.constant 9.99999997E-7 : f32
    %add3A_847 = vector.broadcast %add3A_846 : f32 to vector<16xf32>
    %add3A_848 = arith.addf %get3A_845, %add3A_847 : vector<16xf32>
    %div3A_849 = arith.divf %get3A_840, %add3A_848 : vector<16xf32>
    %add3A_850 = arith.addf %add3A_835, %div3A_849 : vector<16xf32>
    %get3A_851 = arith.constant 1 : i32
    %get3A_852 = arith.index_cast %get3A_851 : i32 to index
    %get3A_853 = arith.constant 0 : index
    %get3A_854 = tpu.vector_load %arg6[%get3A_852, %get3A_853] {strides = array<i32>} : memref<4x128xf32, #tpu.memory_space<vmem>>, vector<1x16xf32>,
    %get3A_855 = vector.shape_cast %get3A_854 : vector<1x16xf32> to vector<16xf32>
    %get3A_856 = arith.constant 1 : i32
    %get3A_857 = arith.index_cast %get3A_856 : i32 to index
    %get3A_858 = arith.constant 0 : index
    %get3A_859 = tpu.vector_load %arg7[%get3A_857, %get3A_858] {strides = array<i32>} : memref<4x128xf32, #tpu.memory_space<vmem>>, vector<1x16xf32>,
    %get3A_860 = vector.shape_cast %get3A_859 : vector<1x16xf32> to vector<16xf32>
    %add3A_861 = arith.constant 9.99999997E-7 : f32
    %add3A_862 = vector.broadcast %add3A_861 : f32 to vector<16xf32>
    %add3A_863 = arith.addf %get3A_860, %add3A_862 : vector<16xf32>
    %div3A_864 = arith.divf %get3A_855, %add3A_863 : vector<16xf32>
    %add3A_865 = arith.addf %add3A_850, %div3A_864 : vector<16xf32>
    %get3A_866 = arith.constant 1 : i32
    %get3A_867 = arith.index_cast %get3A_866 : i32 to index
    %get3A_868 = arith.constant 16 : index
    %get3A_869 = tpu.vector_load %arg6[%get3A_867, %get3A_868] {strides = array<i32>} : memref<4x128xf32, #tpu.memory_space<vmem>>, vector<1x16xf32>,
    %get3A_870 = vector.shape_cast %get3A_869 : vector<1x16xf32> to vector<16xf32>
    %get3A_871 = arith.constant 1 : i32
    %get3A_872 = arith.index_cast %get3A_871 : i32 to index
    %get3A_873 = arith.constant 16 : index
    %get3A_874 = tpu.vector_load %arg7[%get3A_872, %get3A_873] {strides = array<i32>} : memref<4x128xf32, #tpu.memory_space<vmem>>, vector<1x16xf32>,
    %get3A_875 = vector.shape_cast %get3A_874 : vector<1x16xf32> to vector<16xf32>
    %add3A_876 = arith.constant 9.99999997E-7 : f32
    %add3A_877 = vector.broadcast %add3A_876 : f32 to vector<16xf32>
    %add3A_878 = arith.addf %get3A_875, %add3A_877 : vector<16xf32>
    %div3A_879 = arith.divf %get3A_870, %add3A_878 : vector<16xf32>
    %add3A_880 = arith.addf %add3A_865, %div3A_879 : vector<16xf32>
    %get3A_881 = arith.constant 1 : i32
    %get3A_882 = arith.index_cast %get3A_881 : i32 to index
    %get3A_883 = arith.constant 32 : index
    %get3A_884 = tpu.vector_load %arg6[%get3A_882, %get3A_883] {strides = array<i32>} : memref<4x128xf32, #tpu.memory_space<vmem>>, vector<1x16xf32>,
    %get3A_885 = vector.shape_cast %get3A_884 : vector<1x16xf32> to vector<16xf32>
    %get3A_886 = arith.constant 1 : i32
    %get3A_887 = arith.index_cast %get3A_886 : i32 to index
    %get3A_888 = arith.constant 32 : index
    %get3A_889 = tpu.vector_load %arg7[%get3A_887, %get3A_888] {strides = array<i32>} : memref<4x128xf32, #tpu.memory_space<vmem>>, vector<1x16xf32>,
    %get3A_890 = vector.shape_cast %get3A_889 : vector<1x16xf32> to vector<16xf32>
    %add3A_891 = arith.constant 9.99999997E-7 : f32
    %add3A_892 = vector.broadcast %add3A_891 : f32 to vector<16xf32>
    %add3A_893 = arith.addf %get3A_890, %add3A_892 : vector<16xf32>
    %div3A_894 = arith.divf %get3A_885, %add3A_893 : vector<16xf32>
    %add3A_895 = arith.addf %add3A_880, %div3A_894 : vector<16xf32>
    %get3A_896 = arith.constant 1 : i32
    %get3A_897 = arith.index_cast %get3A_896 : i32 to index
    %get3A_898 = arith.constant 48 : index
    %get3A_899 = tpu.vector_load %arg6[%get3A_897, %get3A_898] {strides = array<i32>} : memref<4x128xf32, #tpu.memory_space<vmem>>, vector<1x16xf32>,
    %get3A_900 = vector.shape_cast %get3A_899 : vector<1x16xf32> to vector<16xf32>
    %get3A_901 = arith.constant 1 : i32
    %get3A_902 = arith.index_cast %get3A_901 : i32 to index
    %get3A_903 = arith.constant 48 : index
    %get3A_904 = tpu.vector_load %arg7[%get3A_902, %get3A_903] {strides = array<i32>} : memref<4x128xf32, #tpu.memory_space<vmem>>, vector<1x16xf32>,
    %get3A_905 = vector.shape_cast %get3A_904 : vector<1x16xf32> to vector<16xf32>
    %add3A_906 = arith.constant 9.99999997E-7 : f32
    %add3A_907 = vector.broadcast %add3A_906 : f32 to vector<16xf32>
    %add3A_908 = arith.addf %get3A_905, %add3A_907 : vector<16xf32>
    %div3A_909 = arith.divf %get3A_900, %add3A_908 : vector<16xf32>
    %add3A_910 = arith.addf %add3A_895, %div3A_909 : vector<16xf32>
    %get3A_911 = arith.constant 1 : i32
    %get3A_912 = arith.index_cast %get3A_911 : i32 to index
    %get3A_913 = arith.constant 64 : index
    %get3A_914 = tpu.vector_load %arg6[%get3A_912, %get3A_913] {strides = array<i32>} : memref<4x128xf32, #tpu.memory_space<vmem>>, vector<1x16xf32>,
    %get3A_915 = vector.shape_cast %get3A_914 : vector<1x16xf32> to vector<16xf32>
    %get3A_916 = arith.constant 1 : i32
    %get3A_917 = arith.index_cast %get3A_916 : i32 to index
    %get3A_918 = arith.constant 64 : index
    %get3A_919 = tpu.vector_load %arg7[%get3A_917, %get3A_918] {strides = array<i32>} : memref<4x128xf32, #tpu.memory_space<vmem>>, vector<1x16xf32>,
    %get3A_920 = vector.shape_cast %get3A_919 : vector<1x16xf32> to vector<16xf32>
    %add3A_921 = arith.constant 9.99999997E-7 : f32
    %add3A_922 = vector.broadcast %add3A_921 : f32 to vector<16xf32>
    %add3A_923 = arith.addf %get3A_920, %add3A_922 : vector<16xf32>
    %div3A_924 = arith.divf %get3A_915, %add3A_923 : vector<16xf32>
    %add3A_925 = arith.addf %add3A_910, %div3A_924 : vector<16xf32>
    %get3A_926 = arith.constant 1 : i32
    %get3A_927 = arith.index_cast %get3A_926 : i32 to index
    %get3A_928 = arith.constant 80 : index
    %get3A_929 = tpu.vector_load %arg6[%get3A_927, %get3A_928] {strides = array<i32>} : memref<4x128xf32, #tpu.memory_space<vmem>>, vector<1x16xf32>,
    %get3A_930 = vector.shape_cast %get3A_929 : vector<1x16xf32> to vector<16xf32>
    %get3A_931 = arith.constant 1 : i32
    %get3A_932 = arith.index_cast %get3A_931 : i32 to index
    %get3A_933 = arith.constant 80 : index
    %get3A_934 = tpu.vector_load %arg7[%get3A_932, %get3A_933] {strides = array<i32>} : memref<4x128xf32, #tpu.memory_space<vmem>>, vector<1x16xf32>,
    %get3A_935 = vector.shape_cast %get3A_934 : vector<1x16xf32> to vector<16xf32>
    %add3A_936 = arith.constant 9.99999997E-7 : f32
    %add3A_937 = vector.broadcast %add3A_936 : f32 to vector<16xf32>
    %add3A_938 = arith.addf %get3A_935, %add3A_937 : vector<16xf32>
    %div3A_939 = arith.divf %get3A_930, %add3A_938 : vector<16xf32>
    %add3A_940 = arith.addf %add3A_925, %div3A_939 : vector<16xf32>
    %get3A_941 = arith.constant 1 : i32
    %get3A_942 = arith.index_cast %get3A_941 : i32 to index
    %get3A_943 = arith.constant 96 : index
    %get3A_944 = tpu.vector_load %arg6[%get3A_942, %get3A_943] {strides = array<i32>} : memref<4x128xf32, #tpu.memory_space<vmem>>, vector<1x16xf32>,
    %get3A_945 = vector.shape_cast %get3A_944 : vector<1x16xf32> to vector<16xf32>
    %get3A_946 = arith.constant 1 : i32
    %get3A_947 = arith.index_cast %get3A_946 : i32 to index
    %get3A_948 = arith.constant 96 : index
    %get3A_949 = tpu.vector_load %arg7[%get3A_947, %get3A_948] {strides = array<i32>} : memref<4x128xf32, #tpu.memory_space<vmem>>, vector<1x16xf32>,
    %get3A_950 = vector.shape_cast %get3A_949 : vector<1x16xf32> to vector<16xf32>
    %add3A_951 = arith.constant 9.99999997E-7 : f32
    %add3A_952 = vector.broadcast %add3A_951 : f32 to vector<16xf32>
    %add3A_953 = arith.addf %get3A_950, %add3A_952 : vector<16xf32>
    %div3A_954 = arith.divf %get3A_945, %add3A_953 : vector<16xf32>
    %add3A_955 = arith.addf %add3A_940, %div3A_954 : vector<16xf32>
    %get3A_956 = arith.constant 1 : i32
    %get3A_957 = arith.index_cast %get3A_956 : i32 to index
    %get3A_958 = arith.constant 112 : index
    %get3A_959 = tpu.vector_load %arg6[%get3A_957, %get3A_958] {strides = array<i32>} : memref<4x128xf32, #tpu.memory_space<vmem>>, vector<1x16xf32>,
    %get3A_960 = vector.shape_cast %get3A_959 : vector<1x16xf32> to vector<16xf32>
    %get3A_961 = arith.constant 1 : i32
    %get3A_962 = arith.index_cast %get3A_961 : i32 to index
    %get3A_963 = arith.constant 112 : index
    %get3A_964 = tpu.vector_load %arg7[%get3A_962, %get3A_963] {strides = array<i32>} : memref<4x128xf32, #tpu.memory_space<vmem>>, vector<1x16xf32>,
    %get3A_965 = vector.shape_cast %get3A_964 : vector<1x16xf32> to vector<16xf32>
    %add3A_966 = arith.constant 9.99999997E-7 : f32
    %add3A_967 = vector.broadcast %add3A_966 : f32 to vector<16xf32>
    %add3A_968 = arith.addf %get3A_965, %add3A_967 : vector<16xf32>
    %div3A_969 = arith.divf %get3A_960, %add3A_968 : vector<16xf32>
    %add3A_970 = arith.addf %add3A_955, %div3A_969 : vector<16xf32>
    %get3A_971 = arith.constant 2 : i32
    %get3A_972 = arith.index_cast %get3A_971 : i32 to index
    %get3A_973 = arith.constant 0 : index
    %get3A_974 = tpu.vector_load %arg6[%get3A_972, %get3A_973] {strides = array<i32>} : memref<4x128xf32, #tpu.memory_space<vmem>>, vector<1x16xf32>,
    %get3A_975 = vector.shape_cast %get3A_974 : vector<1x16xf32> to vector<16xf32>
    %get3A_976 = arith.constant 2 : i32
    %get3A_977 = arith.index_cast %get3A_976 : i32 to index
    %get3A_978 = arith.constant 0 : index
    %get3A_979 = tpu.vector_load %arg7[%get3A_977, %get3A_978] {strides = array<i32>} : memref<4x128xf32, #tpu.memory_space<vmem>>, vector<1x16xf32>,
    %get3A_980 = vector.shape_cast %get3A_979 : vector<1x16xf32> to vector<16xf32>
    %add3A_981 = arith.constant 9.99999997E-7 : f32
    %add3A_982 = vector.broadcast %add3A_981 : f32 to vector<16xf32>
    %add3A_983 = arith.addf %get3A_980, %add3A_982 : vector<16xf32>
    %div3A_984 = arith.divf %get3A_975, %add3A_983 : vector<16xf32>
    %add3A_985 = arith.addf %add3A_970, %div3A_984 : vector<16xf32>
    %get3A_986 = arith.constant 2 : i32
    %get3A_987 = arith.index_cast %get3A_986 : i32 to index
    %get3A_988 = arith.constant 16 : index
    %get3A_989 = tpu.vector_load %arg6[%get3A_987, %get3A_988] {strides = array<i32>} : memref<4x128xf32, #tpu.memory_space<vmem>>, vector<1x16xf32>,
    %get3A_990 = vector.shape_cast %get3A_989 : vector<1x16xf32> to vector<16xf32>
    %get3A_991 = arith.constant 2 : i32
    %get3A_992 = arith.index_cast %get3A_991 : i32 to index
    %get3A_993 = arith.constant 16 : index
    %get3A_994 = tpu.vector_load %arg7[%get3A_992, %get3A_993] {strides = array<i32>} : memref<4x128xf32, #tpu.memory_space<vmem>>, vector<1x16xf32>,
    %get3A_995 = vector.shape_cast %get3A_994 : vector<1x16xf32> to vector<16xf32>
    %add3A_996 = arith.constant 9.99999997E-7 : f32
    %add3A_997 = vector.broadcast %add3A_996 : f32 to vector<16xf32>
    %add3A_998 = arith.addf %get3A_995, %add3A_997 : vector<16xf32>
    %div3A_999 = arith.divf %get3A_990, %add3A_998 : vector<16xf32>
    %add3A_1000 = arith.addf %add3A_985, %div3A_999 : vector<16xf32>
    %get3A_1001 = arith.constant 2 : i32
    %get3A_1002 = arith.index_cast %get3A_1001 : i32 to index
    %get3A_1003 = arith.constant 32 : index
    %get3A_1004 = tpu.vector_load %arg6[%get3A_1002, %get3A_1003] {strides = array<i32>} : memref<4x128xf32, #tpu.memory_space<vmem>>, vector<1x16xf32>,
    %get3A_1005 = vector.shape_cast %get3A_1004 : vector<1x16xf32> to vector<16xf32>
    %get3A_1006 = arith.constant 2 : i32
    %get3A_1007 = arith.index_cast %get3A_1006 : i32 to index
    %get3A_1008 = arith.constant 32 : index
    %get3A_1009 = tpu.vector_load %arg7[%get3A_1007, %get3A_1008] {strides = array<i32>} : memref<4x128xf32, #tpu.memory_space<vmem>>, vector<1x16xf32>,
    %get3A_1010 = vector.shape_cast %get3A_1009 : vector<1x16xf32> to vector<16xf32>
    %add3A_1011 = arith.constant 9.99999997E-7 : f32
    %add3A_1012 = vector.broadcast %add3A_1011 : f32 to vector<16xf32>
    %add3A_1013 = arith.addf %get3A_1010, %add3A_1012 : vector<16xf32>
    %div3A_1014 = arith.divf %get3A_1005, %add3A_1013 : vector<16xf32>
    %add3A_1015 = arith.addf %add3A_1000, %div3A_1014 : vector<16xf32>
    %get3A_1016 = arith.constant 2 : i32
    %get3A_1017 = arith.index_cast %get3A_1016 : i32 to index
    %get3A_1018 = arith.constant 48 : index
    %get3A_1019 = tpu.vector_load %arg6[%get3A_1017, %get3A_1018] {strides = array<i32>} : memref<4x128xf32, #tpu.memory_space<vmem>>, vector<1x16xf32>,
    %get3A_1020 = vector.shape_cast %get3A_1019 : vector<1x16xf32> to vector<16xf32>
    %get3A_1021 = arith.constant 2 : i32
    %get3A_1022 = arith.index_cast %get3A_1021 : i32 to index
    %get3A_1023 = arith.constant 48 : index
    %get3A_1024 = tpu.vector_load %arg7[%get3A_1022, %get3A_1023] {strides = array<i32>} : memref<4x128xf32, #tpu.memory_space<vmem>>, vector<1x16xf32>,
    %get3A_1025 = vector.shape_cast %get3A_1024 : vector<1x16xf32> to vector<16xf32>
    %add3A_1026 = arith.constant 9.99999997E-7 : f32
    %add3A_1027 = vector.broadcast %add3A_1026 : f32 to vector<16xf32>
    %add3A_1028 = arith.addf %get3A_1025, %add3A_1027 : vector<16xf32>
    %div3A_1029 = arith.divf %get3A_1020, %add3A_1028 : vector<16xf32>
    %add3A_1030 = arith.addf %add3A_1015, %div3A_1029 : vector<16xf32>
    %get3A_1031 = arith.constant 2 : i32
    %get3A_1032 = arith.index_cast %get3A_1031 : i32 to index
    %get3A_1033 = arith.constant 64 : index
    %get3A_1034 = tpu.vector_load %arg6[%get3A_1032, %get3A_1033] {strides = array<i32>} : memref<4x128xf32, #tpu.memory_space<vmem>>, vector<1x16xf32>,
    %get3A_1035 = vector.shape_cast %get3A_1034 : vector<1x16xf32> to vector<16xf32>
    %get3A_1036 = arith.constant 2 : i32
    %get3A_1037 = arith.index_cast %get3A_1036 : i32 to index
    %get3A_1038 = arith.constant 64 : index
    %get3A_1039 = tpu.vector_load %arg7[%get3A_1037, %get3A_1038] {strides = array<i32>} : memref<4x128xf32, #tpu.memory_space<vmem>>, vector<1x16xf32>,
    %get3A_1040 = vector.shape_cast %get3A_1039 : vector<1x16xf32> to vector<16xf32>
    %add3A_1041 = arith.constant 9.99999997E-7 : f32
    %add3A_1042 = vector.broadcast %add3A_1041 : f32 to vector<16xf32>
    %add3A_1043 = arith.addf %get3A_1040, %add3A_1042 : vector<16xf32>
    %div3A_1044 = arith.divf %get3A_1035, %add3A_1043 : vector<16xf32>
    %add3A_1045 = arith.addf %add3A_1030, %div3A_1044 : vector<16xf32>
    %get3A_1046 = arith.constant 2 : i32
    %get3A_1047 = arith.index_cast %get3A_1046 : i32 to index
    %get3A_1048 = arith.constant 80 : index
    %get3A_1049 = tpu.vector_load %arg6[%get3A_1047, %get3A_1048] {strides = array<i32>} : memref<4x128xf32, #tpu.memory_space<vmem>>, vector<1x16xf32>,
    %get3A_1050 = vector.shape_cast %get3A_1049 : vector<1x16xf32> to vector<16xf32>
    %get3A_1051 = arith.constant 2 : i32
    %get3A_1052 = arith.index_cast %get3A_1051 : i32 to index
    %get3A_1053 = arith.constant 80 : index
    %get3A_1054 = tpu.vector_load %arg7[%get3A_1052, %get3A_1053] {strides = array<i32>} : memref<4x128xf32, #tpu.memory_space<vmem>>, vector<1x16xf32>,
    %get3A_1055 = vector.shape_cast %get3A_1054 : vector<1x16xf32> to vector<16xf32>
    %add3A_1056 = arith.constant 9.99999997E-7 : f32
    %add3A_1057 = vector.broadcast %add3A_1056 : f32 to vector<16xf32>
    %add3A_1058 = arith.addf %get3A_1055, %add3A_1057 : vector<16xf32>
    %div3A_1059 = arith.divf %get3A_1050, %add3A_1058 : vector<16xf32>
    %add3A_1060 = arith.addf %add3A_1045, %div3A_1059 : vector<16xf32>
    %get3A_1061 = arith.constant 2 : i32
    %get3A_1062 = arith.index_cast %get3A_1061 : i32 to index
    %get3A_1063 = arith.constant 96 : index
    %get3A_1064 = tpu.vector_load %arg6[%get3A_1062, %get3A_1063] {strides = array<i32>} : memref<4x128xf32, #tpu.memory_space<vmem>>, vector<1x16xf32>,
    %get3A_1065 = vector.shape_cast %get3A_1064 : vector<1x16xf32> to vector<16xf32>
    %get3A_1066 = arith.constant 2 : i32
    %get3A_1067 = arith.index_cast %get3A_1066 : i32 to index
    %get3A_1068 = arith.constant 96 : index
    %get3A_1069 = tpu.vector_load %arg7[%get3A_1067, %get3A_1068] {strides = array<i32>} : memref<4x128xf32, #tpu.memory_space<vmem>>, vector<1x16xf32>,
    %get3A_1070 = vector.shape_cast %get3A_1069 : vector<1x16xf32> to vector<16xf32>
    %add3A_1071 = arith.constant 9.99999997E-7 : f32
    %add3A_1072 = vector.broadcast %add3A_1071 : f32 to vector<16xf32>
    %add3A_1073 = arith.addf %get3A_1070, %add3A_1072 : vector<16xf32>
    %div3A_1074 = arith.divf %get3A_1065, %add3A_1073 : vector<16xf32>
    %add3A_1075 = arith.addf %add3A_1060, %div3A_1074 : vector<16xf32>
    %get3A_1076 = arith.constant 2 : i32
    %get3A_1077 = arith.index_cast %get3A_1076 : i32 to index
    %get3A_1078 = arith.constant 112 : index
    %get3A_1079 = tpu.vector_load %arg6[%get3A_1077, %get3A_1078] {strides = array<i32>} : memref<4x128xf32, #tpu.memory_space<vmem>>, vector<1x16xf32>,
    %get3A_1080 = vector.shape_cast %get3A_1079 : vector<1x16xf32> to vector<16xf32>
    %get3A_1081 = arith.constant 2 : i32
    %get3A_1082 = arith.index_cast %get3A_1081 : i32 to index
    %get3A_1083 = arith.constant 112 : index
    %get3A_1084 = tpu.vector_load %arg7[%get3A_1082, %get3A_1083] {strides = array<i32>} : memref<4x128xf32, #tpu.memory_space<vmem>>, vector<1x16xf32>,
    %get3A_1085 = vector.shape_cast %get3A_1084 : vector<1x16xf32> to vector<16xf32>
    %add3A_1086 = arith.constant 9.99999997E-7 : f32
    %add3A_1087 = vector.broadcast %add3A_1086 : f32 to vector<16xf32>
    %add3A_1088 = arith.addf %get3A_1085, %add3A_1087 : vector<16xf32>
    %div3A_1089 = arith.divf %get3A_1080, %add3A_1088 : vector<16xf32>
    %add3A_1090 = arith.addf %add3A_1075, %div3A_1089 : vector<16xf32>
    %get3A_1091 = arith.constant 3 : i32
    %get3A_1092 = arith.index_cast %get3A_1091 : i32 to index
    %get3A_1093 = arith.constant 0 : index
    %get3A_1094 = tpu.vector_load %arg6[%get3A_1092, %get3A_1093] {strides = array<i32>} : memref<4x128xf32, #tpu.memory_space<vmem>>, vector<1x16xf32>,
    %get3A_1095 = vector.shape_cast %get3A_1094 : vector<1x16xf32> to vector<16xf32>
    %get3A_1096 = arith.constant 3 : i32
    %get3A_1097 = arith.index_cast %get3A_1096 : i32 to index
    %get3A_1098 = arith.constant 0 : index
    %get3A_1099 = tpu.vector_load %arg7[%get3A_1097, %get3A_1098] {strides = array<i32>} : memref<4x128xf32, #tpu.memory_space<vmem>>, vector<1x16xf32>,
    %get3A_1100 = vector.shape_cast %get3A_1099 : vector<1x16xf32> to vector<16xf32>
    %add3A_1101 = arith.constant 9.99999997E-7 : f32
    %add3A_1102 = vector.broadcast %add3A_1101 : f32 to vector<16xf32>
    %add3A_1103 = arith.addf %get3A_1100, %add3A_1102 : vector<16xf32>
    %div3A_1104 = arith.divf %get3A_1095, %add3A_1103 : vector<16xf32>
    %add3A_1105 = arith.addf %add3A_1090, %div3A_1104 : vector<16xf32>
    %get3A_1106 = arith.constant 3 : i32
    %get3A_1107 = arith.index_cast %get3A_1106 : i32 to index
    %get3A_1108 = arith.constant 16 : index
    %get3A_1109 = tpu.vector_load %arg6[%get3A_1107, %get3A_1108] {strides = array<i32>} : memref<4x128xf32, #tpu.memory_space<vmem>>, vector<1x16xf32>,
    %get3A_1110 = vector.shape_cast %get3A_1109 : vector<1x16xf32> to vector<16xf32>
    %get3A_1111 = arith.constant 3 : i32
    %get3A_1112 = arith.index_cast %get3A_1111 : i32 to index
    %get3A_1113 = arith.constant 16 : index
    %get3A_1114 = tpu.vector_load %arg7[%get3A_1112, %get3A_1113] {strides = array<i32>} : memref<4x128xf32, #tpu.memory_space<vmem>>, vector<1x16xf32>,
    %get3A_1115 = vector.shape_cast %get3A_1114 : vector<1x16xf32> to vector<16xf32>
    %add3A_1116 = arith.constant 9.99999997E-7 : f32
    %add3A_1117 = vector.broadcast %add3A_1116 : f32 to vector<16xf32>
    %add3A_1118 = arith.addf %get3A_1115, %add3A_1117 : vector<16xf32>
    %div3A_1119 = arith.divf %get3A_1110, %add3A_1118 : vector<16xf32>
    %add3A_1120 = arith.addf %add3A_1105, %div3A_1119 : vector<16xf32>
    %get3A_1121 = arith.constant 3 : i32
    %get3A_1122 = arith.index_cast %get3A_1121 : i32 to index
    %get3A_1123 = arith.constant 32 : index
    %get3A_1124 = tpu.vector_load %arg6[%get3A_1122, %get3A_1123] {strides = array<i32>} : memref<4x128xf32, #tpu.memory_space<vmem>>, vector<1x16xf32>,
    %get3A_1125 = vector.shape_cast %get3A_1124 : vector<1x16xf32> to vector<16xf32>
    %get3A_1126 = arith.constant 3 : i32
    %get3A_1127 = arith.index_cast %get3A_1126 : i32 to index
    %get3A_1128 = arith.constant 32 : index
    %get3A_1129 = tpu.vector_load %arg7[%get3A_1127, %get3A_1128] {strides = array<i32>} : memref<4x128xf32, #tpu.memory_space<vmem>>, vector<1x16xf32>,
    %get3A_1130 = vector.shape_cast %get3A_1129 : vector<1x16xf32> to vector<16xf32>
    %add3A_1131 = arith.constant 9.99999997E-7 : f32
    %add3A_1132 = vector.broadcast %add3A_1131 : f32 to vector<16xf32>
    %add3A_1133 = arith.addf %get3A_1130, %add3A_1132 : vector<16xf32>
    %div3A_1134 = arith.divf %get3A_1125, %add3A_1133 : vector<16xf32>
    %add3A_1135 = arith.addf %add3A_1120, %div3A_1134 : vector<16xf32>
    %get3A_1136 = arith.constant 3 : i32
    %get3A_1137 = arith.index_cast %get3A_1136 : i32 to index
    %get3A_1138 = arith.constant 48 : index
    %get3A_1139 = tpu.vector_load %arg6[%get3A_1137, %get3A_1138] {strides = array<i32>} : memref<4x128xf32, #tpu.memory_space<vmem>>, vector<1x16xf32>,
    %get3A_1140 = vector.shape_cast %get3A_1139 : vector<1x16xf32> to vector<16xf32>
    %get3A_1141 = arith.constant 3 : i32
    %get3A_1142 = arith.index_cast %get3A_1141 : i32 to index
    %get3A_1143 = arith.constant 48 : index
    %get3A_1144 = tpu.vector_load %arg7[%get3A_1142, %get3A_1143] {strides = array<i32>} : memref<4x128xf32, #tpu.memory_space<vmem>>, vector<1x16xf32>,
    %get3A_1145 = vector.shape_cast %get3A_1144 : vector<1x16xf32> to vector<16xf32>
    %add3A_1146 = arith.constant 9.99999997E-7 : f32
    %add3A_1147 = vector.broadcast %add3A_1146 : f32 to vector<16xf32>
    %add3A_1148 = arith.addf %get3A_1145, %add3A_1147 : vector<16xf32>
    %div3A_1149 = arith.divf %get3A_1140, %add3A_1148 : vector<16xf32>
    %add3A_1150 = arith.addf %add3A_1135, %div3A_1149 : vector<16xf32>
    %get3A_1151 = arith.constant 3 : i32
    %get3A_1152 = arith.index_cast %get3A_1151 : i32 to index
    %get3A_1153 = arith.constant 64 : index
    %get3A_1154 = tpu.vector_load %arg6[%get3A_1152, %get3A_1153] {strides = array<i32>} : memref<4x128xf32, #tpu.memory_space<vmem>>, vector<1x16xf32>,
    %get3A_1155 = vector.shape_cast %get3A_1154 : vector<1x16xf32> to vector<16xf32>
    %get3A_1156 = arith.constant 3 : i32
    %get3A_1157 = arith.index_cast %get3A_1156 : i32 to index
    %get3A_1158 = arith.constant 64 : index
    %get3A_1159 = tpu.vector_load %arg7[%get3A_1157, %get3A_1158] {strides = array<i32>} : memref<4x128xf32, #tpu.memory_space<vmem>>, vector<1x16xf32>,
    %get3A_1160 = vector.shape_cast %get3A_1159 : vector<1x16xf32> to vector<16xf32>
    %add3A_1161 = arith.constant 9.99999997E-7 : f32
    %add3A_1162 = vector.broadcast %add3A_1161 : f32 to vector<16xf32>
    %add3A_1163 = arith.addf %get3A_1160, %add3A_1162 : vector<16xf32>
    %div3A_1164 = arith.divf %get3A_1155, %add3A_1163 : vector<16xf32>
    %add3A_1165 = arith.addf %add3A_1150, %div3A_1164 : vector<16xf32>
    %get3A_1166 = arith.constant 3 : i32
    %get3A_1167 = arith.index_cast %get3A_1166 : i32 to index
    %get3A_1168 = arith.constant 80 : index
    %get3A_1169 = tpu.vector_load %arg6[%get3A_1167, %get3A_1168] {strides = array<i32>} : memref<4x128xf32, #tpu.memory_space<vmem>>, vector<1x16xf32>,
    %get3A_1170 = vector.shape_cast %get3A_1169 : vector<1x16xf32> to vector<16xf32>
    %get3A_1171 = arith.constant 3 : i32
    %get3A_1172 = arith.index_cast %get3A_1171 : i32 to index
    %get3A_1173 = arith.constant 80 : index
    %get3A_1174 = tpu.vector_load %arg7[%get3A_1172, %get3A_1173] {strides = array<i32>} : memref<4x128xf32, #tpu.memory_space<vmem>>, vector<1x16xf32>,
    %get3A_1175 = vector.shape_cast %get3A_1174 : vector<1x16xf32> to vector<16xf32>
    %add3A_1176 = arith.constant 9.99999997E-7 : f32
    %add3A_1177 = vector.broadcast %add3A_1176 : f32 to vector<16xf32>
    %add3A_1178 = arith.addf %get3A_1175, %add3A_1177 : vector<16xf32>
    %div3A_1179 = arith.divf %get3A_1170, %add3A_1178 : vector<16xf32>
    %add3A_1180 = arith.addf %add3A_1165, %div3A_1179 : vector<16xf32>
    %get3A_1181 = arith.constant 3 : i32
    %get3A_1182 = arith.index_cast %get3A_1181 : i32 to index
    %get3A_1183 = arith.constant 96 : index
    %get3A_1184 = tpu.vector_load %arg6[%get3A_1182, %get3A_1183] {strides = array<i32>} : memref<4x128xf32, #tpu.memory_space<vmem>>, vector<1x16xf32>,
    %get3A_1185 = vector.shape_cast %get3A_1184 : vector<1x16xf32> to vector<16xf32>
    %get3A_1186 = arith.constant 3 : i32
    %get3A_1187 = arith.index_cast %get3A_1186 : i32 to index
    %get3A_1188 = arith.constant 96 : index
    %get3A_1189 = tpu.vector_load %arg7[%get3A_1187, %get3A_1188] {strides = array<i32>} : memref<4x128xf32, #tpu.memory_space<vmem>>, vector<1x16xf32>,
    %get3A_1190 = vector.shape_cast %get3A_1189 : vector<1x16xf32> to vector<16xf32>
    %add3A_1191 = arith.constant 9.99999997E-7 : f32
    %add3A_1192 = vector.broadcast %add3A_1191 : f32 to vector<16xf32>
    %add3A_1193 = arith.addf %get3A_1190, %add3A_1192 : vector<16xf32>
    %div3A_1194 = arith.divf %get3A_1185, %add3A_1193 : vector<16xf32>
    %add3A_1195 = arith.addf %add3A_1180, %div3A_1194 : vector<16xf32>
    %get3A_1196 = arith.constant 3 : i32
    %get3A_1197 = arith.index_cast %get3A_1196 : i32 to index
    %get3A_1198 = arith.constant 112 : index
    %get3A_1199 = tpu.vector_load %arg6[%get3A_1197, %get3A_1198] {strides = array<i32>} : memref<4x128xf32, #tpu.memory_space<vmem>>, vector<1x16xf32>,
    %get3A_1200 = vector.shape_cast %get3A_1199 : vector<1x16xf32> to vector<16xf32>
    %get3A_1201 = arith.constant 3 : i32
    %get3A_1202 = arith.index_cast %get3A_1201 : i32 to index
    %get3A_1203 = arith.constant 112 : index
    %get3A_1204 = tpu.vector_load %arg7[%get3A_1202, %get3A_1203] {strides = array<i32>} : memref<4x128xf32, #tpu.memory_space<vmem>>, vector<1x16xf32>,
    %get3A_1205 = vector.shape_cast %get3A_1204 : vector<1x16xf32> to vector<16xf32>
    %add3A_1206 = arith.constant 9.99999997E-7 : f32
    %add3A_1207 = vector.broadcast %add3A_1206 : f32 to vector<16xf32>
    %add3A_1208 = arith.addf %get3A_1205, %add3A_1207 : vector<16xf32>
    %div3A_1209 = arith.divf %get3A_1200, %add3A_1208 : vector<16xf32>
    %add3A_1210 = arith.addf %add3A_1195, %div3A_1209 : vector<16xf32>
    %swap3A_1211 = arith.constant 0 : index
    %swap3A_1212 = tpu.vector_load %arg10[%swap3A_1211] {strides = array<i32>} : memref<16xf32, #tpu.memory_space<vmem>>, vector<16xf32>,
    %swap3A_1213 = vector.shape_cast %swap3A_1212 : vector<16xf32> to vector<16xf32>
    %swap3A_1214 = vector.shape_cast %add3A_1210 : vector<16xf32> to vector<16xf32>
    tpu.vector_store %arg10[%swap3A_1211], %swap3A_1214 {strides = array<i32>} : memref<16xf32, #tpu.memory_space<vmem>>, vector<16xf32>,
    %mul3A_1215 = arith.constant 16 : i32
    %mul3A_1216 = arith.muli %arg0, %mul3A_1215 : i32
    %add3A_1217 = arith.addi %mul3A_1216, %arg1 : i32
    "tpu.region"() ({
      %run_scoped3A_1218 = tpu.sem_alloc : memref<!tpu.dma_semaphore, #tpu.memory_space<semaphore_mem>>
      %dma_start3A = arith.constant 0 : i32
      %dma_start3A_1219 = tpu.memref_slice %arg4[%add3A_1217, %dma_start3A] : memref<32x16xf32, #tpu.memory_space<hbm>> -> memref<1x16xf32, #tpu.memory_space<hbm>>
      %dma_start3A_1220 = tpu.memref_squeeze %dma_start3A_1219 : memref<1x16xf32, #tpu.memory_space<hbm>> -> memref<16xf32, #tpu.memory_space<hbm>>
      %dma_start3A_1221 = arith.constant 0 : i32
      %dma_start3A_1222 = tpu.memref_slice %arg4[%add3A_1217, %dma_start3A_1221] : memref<32x16xf32, #tpu.memory_space<hbm>> -> memref<1x16xf32, #tpu.memory_space<hbm>>
      %dma_start3A_1223 = tpu.memref_squeeze %dma_start3A_1222 : memref<1x16xf32, #tpu.memory_space<hbm>> -> memref<16xf32, #tpu.memory_space<hbm>>
      tpu.enqueue_dma source(%arg10 : memref<16xf32, #tpu.memory_space<vmem>>) target(%dma_start3A_1223 : memref<16xf32, #tpu.memory_space<hbm>>) target_semaphore(%run_scoped3A_1218 : memref<!tpu.dma_semaphore, #tpu.memory_space<semaphore_mem>>)
      %dma_wait3A = arith.constant 0 : i32
      %dma_wait3A_1224 = tpu.memref_slice %arg4[%add3A_1217, %dma_wait3A] : memref<32x16xf32, #tpu.memory_space<hbm>> -> memref<1x16xf32, #tpu.memory_space<hbm>>
      %dma_wait3A_1225 = tpu.memref_squeeze %dma_wait3A_1224 : memref<1x16xf32, #tpu.memory_space<hbm>> -> memref<16xf32, #tpu.memory_space<hbm>>
      %dma_wait3A_1226 = arith.constant 0 : i32
      %dma_wait3A_1227 = tpu.memref_slice %arg4[%add3A_1217, %dma_wait3A_1226] : memref<32x16xf32, #tpu.memory_space<hbm>> -> memref<1x16xf32, #tpu.memory_space<hbm>>
      %dma_wait3A_1228 = tpu.memref_squeeze %dma_wait3A_1227 : memref<1x16xf32, #tpu.memory_space<hbm>> -> memref<16xf32, #tpu.memory_space<hbm>>
      tpu.wait_dma2 semaphore(%run_scoped3A_1218 : memref<!tpu.dma_semaphore, #tpu.memory_space<semaphore_mem>>) src(%arg10 : memref<16xf32, #tpu.memory_space<vmem>>) dst(%dma_wait3A_1228 : memref<16xf32, #tpu.memory_space<hbm>>)
      tpu.yield
    }) : () -> ()
    return
  }
}

module attributes {stable_mosaic.version = 14 : i64} {
  func.func @_chamfer_tc_body(%arg0: i32, %arg1: memref<1x3x2048xf32, #tpu.memory_space<vmem>>, %arg2: memref<1x2048x3xf32, #tpu.memory_space<vmem>>, %arg3: memref<1x1x128xf32, #tpu.memory_space<vmem>>, %arg4: memref<1x1x2048xf32, #tpu.memory_space<vmem>>, %arg5: memref<1x1x2048xi32, #tpu.memory_space<vmem>>) attributes {dimension_semantics = [#tpu.dimension_semantics<parallel>], iteration_bounds = array<i64: 8>, scalar_prefetch = 0 : i64, scratch_operands = 0 : i64, tpu.core_type = #tpu.core_type<tc>, window_params = [{transform_indices = @transform_0, window_bounds = array<i64: 1, 3, 2048>}, {transform_indices = @transform_1, window_bounds = array<i64: 1, 2048, 3>}, {transform_indices = @transform_2, window_bounds = array<i64: 1, 1, 128>}, {transform_indices = @transform_3, window_bounds = array<i64: 1, 1, 2048>}, {transform_indices = @transform_4, window_bounds = array<i64: 1, 1, 2048>}]} {
    %get3A = arith.constant 0 : index
    %get3A_0 = arith.constant 0 : index
    %get3A_1 = arith.constant 0 : index
    %get3A_2 = vector.load %arg1[%get3A, %get3A_0, %get3A_1] : memref<1x3x2048xf32, #tpu.memory_space<vmem>>, vector<1x3x2048xf32>
    %get3A_3 = vector.shape_cast %get3A_2 : vector<1x3x2048xf32> to vector<3x2048xf32>
    %get3A_4 = arith.constant 0 : index
    %get3A_5 = arith.constant 0 : index
    %get3A_6 = arith.constant 0 : index
    %get3A_7 = vector.load %arg2[%get3A_4, %get3A_5, %get3A_6] : memref<1x2048x3xf32, #tpu.memory_space<vmem>>, vector<1x2048x3xf32>
    %get3A_8 = vector.shape_cast %get3A_7 : vector<1x2048x3xf32> to vector<2048x3xf32>
    %mul3A = arith.mulf %get3A_3, %get3A_3 : vector<3x2048xf32>
    %reduce_sum3A = arith.constant dense<0.000000e+00> : vector<2048xf32>
    %reduce_sum3A_9 = vector.multi_reduction <add>, %mul3A, %reduce_sum3A [0] : vector<3x2048xf32> to vector<2048xf32>
    %broadcast_in_dim3A = vector.shape_cast %reduce_sum3A_9 : vector<2048xf32> to vector<1x2048xf32>
    %iota3A = tpu.iota {dimensions = array<i32: 0>} : vector<512x1xi32>
    %broadcast_in_dim3A_10 = arith.constant 0x7F800000 : f32
    %broadcast_in_dim3A_11 = vector.broadcast %broadcast_in_dim3A_10 : f32 to vector<1x2048xf32>
    %slice3A = vector.extract_strided_slice %get3A_8 {offsets = [0, 0], sizes = [512, 3], strides = [1, 1]} : vector<2048x3xf32> to vector<512x3xf32>
    %mul3A_12 = arith.mulf %slice3A, %slice3A : vector<512x3xf32>
    %reduce_sum3A_13 = arith.constant dense<0.000000e+00> : vector<512xf32>
    %reduce_sum3A_14 = vector.multi_reduction <add>, %mul3A_12, %reduce_sum3A_13 [1] : vector<512x3xf32> to vector<512xf32>
    %broadcast_in_dim3A_15 = vector.shape_cast %reduce_sum3A_14 : vector<512xf32> to vector<512x1xf32>
    %mul3A_16 = arith.constant -2.000000e+00 : f32
    %mul3A_17 = vector.broadcast %mul3A_16 : f32 to vector<512x3xf32>
    %mul3A_18 = arith.mulf %slice3A, %mul3A_17 : vector<512x3xf32>
    %dot_general3A = arith.constant dense<0.000000e+00> : vector<512x2048xf32>
    %dot_general3A_19 = tpu.matmul %mul3A_18, %get3A_3, %dot_general3A {dimension_numbers = #tpu.dot_dimension_numbers<[1], [0], [0], [1], [0, 0, 1, 1], [], []>, transpose_lhs_hint = false} : vector<512x3xf32>, vector<3x2048xf32>, vector<512x2048xf32> -> vector<512x2048xf32>
    %add3A = vector.broadcast %broadcast_in_dim3A : vector<1x2048xf32> to vector<512x2048xf32>
    %add3A_20 = arith.addf %dot_general3A_19, %add3A : vector<512x2048xf32>
    %add3A_21 = vector.broadcast %broadcast_in_dim3A_15 : vector<512x1xf32> to vector<512x2048xf32>
    %add3A_22 = arith.addf %add3A_20, %add3A_21 : vector<512x2048xf32>
    %max3A = arith.constant 0.000000e+00 : f32
    %max3A_23 = vector.broadcast %max3A : f32 to vector<512x2048xf32>
    %max3A_24 = arith.maximumf %add3A_22, %max3A_23 : vector<512x2048xf32>
    %bitcast_convert_type3A = tpu.bitcast %max3A_24 : vector<512x2048xf32> -> vector<512x2048xi32>
    %and3A = arith.constant -2048 : i32
    %and3A_25 = vector.broadcast %and3A : i32 to vector<512x2048xi32>
    %and3A_26 = arith.andi %bitcast_convert_type3A, %and3A_25 : vector<512x2048xi32>
    %add3A_27 = arith.constant 8388608 : i32
    %add3A_28 = vector.broadcast %add3A_27 : i32 to vector<512x1xi32>
    %add3A_29 = arith.addi %iota3A, %add3A_28 : vector<512x1xi32>
    %add3A_30 = vector.broadcast %add3A_29 : vector<512x1xi32> to vector<512x2048xi32>
    %add3A_31 = arith.addi %and3A_26, %add3A_30 : vector<512x2048xi32>
    %bitcast_convert_type3A_32 = tpu.bitcast %add3A_31 : vector<512x2048xi32> -> vector<512x2048xf32>
    %reduce_min3A = arith.constant dense<0x7F800000> : vector<512xf32>
    %reduce_min3A_33 = vector.multi_reduction <minimumf>, %bitcast_convert_type3A_32, %reduce_min3A [1] : vector<512x2048xf32> to vector<512xf32>
    %broadcast_in_dim3A_34 = vector.shape_cast %reduce_min3A_33 : vector<512xf32> to vector<512x1xf32>
    %bitcast_convert_type3A_35 = tpu.bitcast %broadcast_in_dim3A_34 : vector<512x1xf32> -> vector<512x1xi32>
    %and3A_36 = arith.constant -2048 : i32
    %and3A_37 = vector.broadcast %and3A_36 : i32 to vector<512x1xi32>
    %and3A_38 = arith.andi %bitcast_convert_type3A_35, %and3A_37 : vector<512x1xi32>
    %sub3A = arith.constant 8388608 : i32
    %sub3A_39 = vector.broadcast %sub3A : i32 to vector<512x1xi32>
    %sub3A_40 = arith.subi %and3A_38, %sub3A_39 : vector<512x1xi32>
    %bitcast_convert_type3A_41 = tpu.bitcast %sub3A_40 : vector<512x1xi32> -> vector<512x1xf32>
    %mul3A_42 = arith.constant -1.000000e+03 : f32
    %mul3A_43 = vector.broadcast %mul3A_42 : f32 to vector<512x1xf32>
    %mul3A_44 = arith.mulf %bitcast_convert_type3A_41, %mul3A_43 : vector<512x1xf32>
    %exp3A = math.exp %mul3A_44 : vector<512x1xf32>
    %reduce_sum3A_45 = vector.shape_cast %exp3A : vector<512x1xf32> to vector<1x512x1xf32>
    %reduce_sum3A_46 = arith.constant dense<0.000000e+00> : vector<1xf32>
    %reduce_sum3A_47 = vector.multi_reduction <add>, %reduce_sum3A_45, %reduce_sum3A_46 [1, 2] : vector<1x512x1xf32> to vector<1xf32>
    %reduce_sum3A_48 = vector.shape_cast %reduce_sum3A_47 : vector<1xf32> to vector<1x1x1xf32>
    %reduce_sum3A_49 = vector.extract %reduce_sum3A_48[0, 0, 0] : f32 from vector<1x1x1xf32>
    %add3A_50 = arith.constant 0.000000e+00 : f32
    %add3A_51 = arith.addf %add3A_50, %reduce_sum3A_49 : f32
    %reduce_min3A_52 = arith.constant dense<0x7F800000> : vector<2048xf32>
    %reduce_min3A_53 = vector.multi_reduction <minimumf>, %bitcast_convert_type3A_32, %reduce_min3A_52 [0] : vector<512x2048xf32> to vector<2048xf32>
    %broadcast_in_dim3A_54 = vector.shape_cast %reduce_min3A_53 : vector<2048xf32> to vector<1x2048xf32>
    %min3A = arith.minimumf %broadcast_in_dim3A_11, %broadcast_in_dim3A_54 : vector<1x2048xf32>
    %slice3A_55 = vector.extract_strided_slice %get3A_8 {offsets = [512, 0], sizes = [512, 3], strides = [1, 1]} : vector<2048x3xf32> to vector<512x3xf32>
    %mul3A_56 = arith.mulf %slice3A_55, %slice3A_55 : vector<512x3xf32>
    %reduce_sum3A_57 = arith.constant dense<0.000000e+00> : vector<512xf32>
    %reduce_sum3A_58 = vector.multi_reduction <add>, %mul3A_56, %reduce_sum3A_57 [1] : vector<512x3xf32> to vector<512xf32>
    %broadcast_in_dim3A_59 = vector.shape_cast %reduce_sum3A_58 : vector<512xf32> to vector<512x1xf32>
    %mul3A_60 = arith.constant -2.000000e+00 : f32
    %mul3A_61 = vector.broadcast %mul3A_60 : f32 to vector<512x3xf32>
    %mul3A_62 = arith.mulf %slice3A_55, %mul3A_61 : vector<512x3xf32>
    %dot_general3A_63 = arith.constant dense<0.000000e+00> : vector<512x2048xf32>
    %dot_general3A_64 = tpu.matmul %mul3A_62, %get3A_3, %dot_general3A_63 {dimension_numbers = #tpu.dot_dimension_numbers<[1], [0], [0], [1], [0, 0, 1, 1], [], []>, transpose_lhs_hint = false} : vector<512x3xf32>, vector<3x2048xf32>, vector<512x2048xf32> -> vector<512x2048xf32>
    %add3A_65 = vector.broadcast %broadcast_in_dim3A : vector<1x2048xf32> to vector<512x2048xf32>
    %add3A_66 = arith.addf %dot_general3A_64, %add3A_65 : vector<512x2048xf32>
    %add3A_67 = vector.broadcast %broadcast_in_dim3A_59 : vector<512x1xf32> to vector<512x2048xf32>
    %add3A_68 = arith.addf %add3A_66, %add3A_67 : vector<512x2048xf32>
    %max3A_69 = arith.constant 0.000000e+00 : f32
    %max3A_70 = vector.broadcast %max3A_69 : f32 to vector<512x2048xf32>
    %max3A_71 = arith.maximumf %add3A_68, %max3A_70 : vector<512x2048xf32>
    %bitcast_convert_type3A_72 = tpu.bitcast %max3A_71 : vector<512x2048xf32> -> vector<512x2048xi32>
    %and3A_73 = arith.constant -2048 : i32
    %and3A_74 = vector.broadcast %and3A_73 : i32 to vector<512x2048xi32>
    %and3A_75 = arith.andi %bitcast_convert_type3A_72, %and3A_74 : vector<512x2048xi32>
    %add3A_76 = arith.constant 8389120 : i32
    %add3A_77 = vector.broadcast %add3A_76 : i32 to vector<512x1xi32>
    %add3A_78 = arith.addi %iota3A, %add3A_77 : vector<512x1xi32>
    %add3A_79 = vector.broadcast %add3A_78 : vector<512x1xi32> to vector<512x2048xi32>
    %add3A_80 = arith.addi %and3A_75, %add3A_79 : vector<512x2048xi32>
    %bitcast_convert_type3A_81 = tpu.bitcast %add3A_80 : vector<512x2048xi32> -> vector<512x2048xf32>
    %reduce_min3A_82 = arith.constant dense<0x7F800000> : vector<512xf32>
    %reduce_min3A_83 = vector.multi_reduction <minimumf>, %bitcast_convert_type3A_81, %reduce_min3A_82 [1] : vector<512x2048xf32> to vector<512xf32>
    %broadcast_in_dim3A_84 = vector.shape_cast %reduce_min3A_83 : vector<512xf32> to vector<512x1xf32>
    %bitcast_convert_type3A_85 = tpu.bitcast %broadcast_in_dim3A_84 : vector<512x1xf32> -> vector<512x1xi32>
    %and3A_86 = arith.constant -2048 : i32
    %and3A_87 = vector.broadcast %and3A_86 : i32 to vector<512x1xi32>
    %and3A_88 = arith.andi %bitcast_convert_type3A_85, %and3A_87 : vector<512x1xi32>
    %sub3A_89 = arith.constant 8388608 : i32
    %sub3A_90 = vector.broadcast %sub3A_89 : i32 to vector<512x1xi32>
    %sub3A_91 = arith.subi %and3A_88, %sub3A_90 : vector<512x1xi32>
    %bitcast_convert_type3A_92 = tpu.bitcast %sub3A_91 : vector<512x1xi32> -> vector<512x1xf32>
    %mul3A_93 = arith.constant -1.000000e+03 : f32
    %mul3A_94 = vector.broadcast %mul3A_93 : f32 to vector<512x1xf32>
    %mul3A_95 = arith.mulf %bitcast_convert_type3A_92, %mul3A_94 : vector<512x1xf32>
    %exp3A_96 = math.exp %mul3A_95 : vector<512x1xf32>
    %reduce_sum3A_97 = vector.shape_cast %exp3A_96 : vector<512x1xf32> to vector<1x512x1xf32>
    %reduce_sum3A_98 = arith.constant dense<0.000000e+00> : vector<1xf32>
    %reduce_sum3A_99 = vector.multi_reduction <add>, %reduce_sum3A_97, %reduce_sum3A_98 [1, 2] : vector<1x512x1xf32> to vector<1xf32>
    %reduce_sum3A_100 = vector.shape_cast %reduce_sum3A_99 : vector<1xf32> to vector<1x1x1xf32>
    %reduce_sum3A_101 = vector.extract %reduce_sum3A_100[0, 0, 0] : f32 from vector<1x1x1xf32>
    %add3A_102 = arith.addf %add3A_51, %reduce_sum3A_101 : f32
    %reduce_min3A_103 = arith.constant dense<0x7F800000> : vector<2048xf32>
    %reduce_min3A_104 = vector.multi_reduction <minimumf>, %bitcast_convert_type3A_81, %reduce_min3A_103 [0] : vector<512x2048xf32> to vector<2048xf32>
    %broadcast_in_dim3A_105 = vector.shape_cast %reduce_min3A_104 : vector<2048xf32> to vector<1x2048xf32>
    %min3A_106 = arith.minimumf %min3A, %broadcast_in_dim3A_105 : vector<1x2048xf32>
    %slice3A_107 = vector.extract_strided_slice %get3A_8 {offsets = [1024, 0], sizes = [512, 3], strides = [1, 1]} : vector<2048x3xf32> to vector<512x3xf32>
    %mul3A_108 = arith.mulf %slice3A_107, %slice3A_107 : vector<512x3xf32>
    %reduce_sum3A_109 = arith.constant dense<0.000000e+00> : vector<512xf32>
    %reduce_sum3A_110 = vector.multi_reduction <add>, %mul3A_108, %reduce_sum3A_109 [1] : vector<512x3xf32> to vector<512xf32>
    %broadcast_in_dim3A_111 = vector.shape_cast %reduce_sum3A_110 : vector<512xf32> to vector<512x1xf32>
    %mul3A_112 = arith.constant -2.000000e+00 : f32
    %mul3A_113 = vector.broadcast %mul3A_112 : f32 to vector<512x3xf32>
    %mul3A_114 = arith.mulf %slice3A_107, %mul3A_113 : vector<512x3xf32>
    %dot_general3A_115 = arith.constant dense<0.000000e+00> : vector<512x2048xf32>
    %dot_general3A_116 = tpu.matmul %mul3A_114, %get3A_3, %dot_general3A_115 {dimension_numbers = #tpu.dot_dimension_numbers<[1], [0], [0], [1], [0, 0, 1, 1], [], []>, transpose_lhs_hint = false} : vector<512x3xf32>, vector<3x2048xf32>, vector<512x2048xf32> -> vector<512x2048xf32>
    %add3A_117 = vector.broadcast %broadcast_in_dim3A : vector<1x2048xf32> to vector<512x2048xf32>
    %add3A_118 = arith.addf %dot_general3A_116, %add3A_117 : vector<512x2048xf32>
    %add3A_119 = vector.broadcast %broadcast_in_dim3A_111 : vector<512x1xf32> to vector<512x2048xf32>
    %add3A_120 = arith.addf %add3A_118, %add3A_119 : vector<512x2048xf32>
    %max3A_121 = arith.constant 0.000000e+00 : f32
    %max3A_122 = vector.broadcast %max3A_121 : f32 to vector<512x2048xf32>
    %max3A_123 = arith.maximumf %add3A_120, %max3A_122 : vector<512x2048xf32>
    %bitcast_convert_type3A_124 = tpu.bitcast %max3A_123 : vector<512x2048xf32> -> vector<512x2048xi32>
    %and3A_125 = arith.constant -2048 : i32
    %and3A_126 = vector.broadcast %and3A_125 : i32 to vector<512x2048xi32>
    %and3A_127 = arith.andi %bitcast_convert_type3A_124, %and3A_126 : vector<512x2048xi32>
    %add3A_128 = arith.constant 8389632 : i32
    %add3A_129 = vector.broadcast %add3A_128 : i32 to vector<512x1xi32>
    %add3A_130 = arith.addi %iota3A, %add3A_129 : vector<512x1xi32>
    %add3A_131 = vector.broadcast %add3A_130 : vector<512x1xi32> to vector<512x2048xi32>
    %add3A_132 = arith.addi %and3A_127, %add3A_131 : vector<512x2048xi32>
    %bitcast_convert_type3A_133 = tpu.bitcast %add3A_132 : vector<512x2048xi32> -> vector<512x2048xf32>
    %reduce_min3A_134 = arith.constant dense<0x7F800000> : vector<512xf32>
    %reduce_min3A_135 = vector.multi_reduction <minimumf>, %bitcast_convert_type3A_133, %reduce_min3A_134 [1] : vector<512x2048xf32> to vector<512xf32>
    %broadcast_in_dim3A_136 = vector.shape_cast %reduce_min3A_135 : vector<512xf32> to vector<512x1xf32>
    %bitcast_convert_type3A_137 = tpu.bitcast %broadcast_in_dim3A_136 : vector<512x1xf32> -> vector<512x1xi32>
    %and3A_138 = arith.constant -2048 : i32
    %and3A_139 = vector.broadcast %and3A_138 : i32 to vector<512x1xi32>
    %and3A_140 = arith.andi %bitcast_convert_type3A_137, %and3A_139 : vector<512x1xi32>
    %sub3A_141 = arith.constant 8388608 : i32
    %sub3A_142 = vector.broadcast %sub3A_141 : i32 to vector<512x1xi32>
    %sub3A_143 = arith.subi %and3A_140, %sub3A_142 : vector<512x1xi32>
    %bitcast_convert_type3A_144 = tpu.bitcast %sub3A_143 : vector<512x1xi32> -> vector<512x1xf32>
    %mul3A_145 = arith.constant -1.000000e+03 : f32
    %mul3A_146 = vector.broadcast %mul3A_145 : f32 to vector<512x1xf32>
    %mul3A_147 = arith.mulf %bitcast_convert_type3A_144, %mul3A_146 : vector<512x1xf32>
    %exp3A_148 = math.exp %mul3A_147 : vector<512x1xf32>
    %reduce_sum3A_149 = vector.shape_cast %exp3A_148 : vector<512x1xf32> to vector<1x512x1xf32>
    %reduce_sum3A_150 = arith.constant dense<0.000000e+00> : vector<1xf32>
    %reduce_sum3A_151 = vector.multi_reduction <add>, %reduce_sum3A_149, %reduce_sum3A_150 [1, 2] : vector<1x512x1xf32> to vector<1xf32>
    %reduce_sum3A_152 = vector.shape_cast %reduce_sum3A_151 : vector<1xf32> to vector<1x1x1xf32>
    %reduce_sum3A_153 = vector.extract %reduce_sum3A_152[0, 0, 0] : f32 from vector<1x1x1xf32>
    %add3A_154 = arith.addf %add3A_102, %reduce_sum3A_153 : f32
    %reduce_min3A_155 = arith.constant dense<0x7F800000> : vector<2048xf32>
    %reduce_min3A_156 = vector.multi_reduction <minimumf>, %bitcast_convert_type3A_133, %reduce_min3A_155 [0] : vector<512x2048xf32> to vector<2048xf32>
    %broadcast_in_dim3A_157 = vector.shape_cast %reduce_min3A_156 : vector<2048xf32> to vector<1x2048xf32>
    %min3A_158 = arith.minimumf %min3A_106, %broadcast_in_dim3A_157 : vector<1x2048xf32>
    %slice3A_159 = vector.extract_strided_slice %get3A_8 {offsets = [1536, 0], sizes = [512, 3], strides = [1, 1]} : vector<2048x3xf32> to vector<512x3xf32>
    %mul3A_160 = arith.mulf %slice3A_159, %slice3A_159 : vector<512x3xf32>
    %reduce_sum3A_161 = arith.constant dense<0.000000e+00> : vector<512xf32>
    %reduce_sum3A_162 = vector.multi_reduction <add>, %mul3A_160, %reduce_sum3A_161 [1] : vector<512x3xf32> to vector<512xf32>
    %broadcast_in_dim3A_163 = vector.shape_cast %reduce_sum3A_162 : vector<512xf32> to vector<512x1xf32>
    %mul3A_164 = arith.constant -2.000000e+00 : f32
    %mul3A_165 = vector.broadcast %mul3A_164 : f32 to vector<512x3xf32>
    %mul3A_166 = arith.mulf %slice3A_159, %mul3A_165 : vector<512x3xf32>
    %dot_general3A_167 = arith.constant dense<0.000000e+00> : vector<512x2048xf32>
    %dot_general3A_168 = tpu.matmul %mul3A_166, %get3A_3, %dot_general3A_167 {dimension_numbers = #tpu.dot_dimension_numbers<[1], [0], [0], [1], [0, 0, 1, 1], [], []>, transpose_lhs_hint = false} : vector<512x3xf32>, vector<3x2048xf32>, vector<512x2048xf32> -> vector<512x2048xf32>
    %add3A_169 = vector.broadcast %broadcast_in_dim3A : vector<1x2048xf32> to vector<512x2048xf32>
    %add3A_170 = arith.addf %dot_general3A_168, %add3A_169 : vector<512x2048xf32>
    %add3A_171 = vector.broadcast %broadcast_in_dim3A_163 : vector<512x1xf32> to vector<512x2048xf32>
    %add3A_172 = arith.addf %add3A_170, %add3A_171 : vector<512x2048xf32>
    %max3A_173 = arith.constant 0.000000e+00 : f32
    %max3A_174 = vector.broadcast %max3A_173 : f32 to vector<512x2048xf32>
    %max3A_175 = arith.maximumf %add3A_172, %max3A_174 : vector<512x2048xf32>
    %bitcast_convert_type3A_176 = tpu.bitcast %max3A_175 : vector<512x2048xf32> -> vector<512x2048xi32>
    %and3A_177 = arith.constant -2048 : i32
    %and3A_178 = vector.broadcast %and3A_177 : i32 to vector<512x2048xi32>
    %and3A_179 = arith.andi %bitcast_convert_type3A_176, %and3A_178 : vector<512x2048xi32>
    %add3A_180 = arith.constant 8390144 : i32
    %add3A_181 = vector.broadcast %add3A_180 : i32 to vector<512x1xi32>
    %add3A_182 = arith.addi %iota3A, %add3A_181 : vector<512x1xi32>
    %add3A_183 = vector.broadcast %add3A_182 : vector<512x1xi32> to vector<512x2048xi32>
    %add3A_184 = arith.addi %and3A_179, %add3A_183 : vector<512x2048xi32>
    %bitcast_convert_type3A_185 = tpu.bitcast %add3A_184 : vector<512x2048xi32> -> vector<512x2048xf32>
    %reduce_min3A_186 = arith.constant dense<0x7F800000> : vector<512xf32>
    %reduce_min3A_187 = vector.multi_reduction <minimumf>, %bitcast_convert_type3A_185, %reduce_min3A_186 [1] : vector<512x2048xf32> to vector<512xf32>
    %broadcast_in_dim3A_188 = vector.shape_cast %reduce_min3A_187 : vector<512xf32> to vector<512x1xf32>
    %bitcast_convert_type3A_189 = tpu.bitcast %broadcast_in_dim3A_188 : vector<512x1xf32> -> vector<512x1xi32>
    %and3A_190 = arith.constant -2048 : i32
    %and3A_191 = vector.broadcast %and3A_190 : i32 to vector<512x1xi32>
    %and3A_192 = arith.andi %bitcast_convert_type3A_189, %and3A_191 : vector<512x1xi32>
    %sub3A_193 = arith.constant 8388608 : i32
    %sub3A_194 = vector.broadcast %sub3A_193 : i32 to vector<512x1xi32>
    %sub3A_195 = arith.subi %and3A_192, %sub3A_194 : vector<512x1xi32>
    %bitcast_convert_type3A_196 = tpu.bitcast %sub3A_195 : vector<512x1xi32> -> vector<512x1xf32>
    %mul3A_197 = arith.constant -1.000000e+03 : f32
    %mul3A_198 = vector.broadcast %mul3A_197 : f32 to vector<512x1xf32>
    %mul3A_199 = arith.mulf %bitcast_convert_type3A_196, %mul3A_198 : vector<512x1xf32>
    %exp3A_200 = math.exp %mul3A_199 : vector<512x1xf32>
    %reduce_sum3A_201 = vector.shape_cast %exp3A_200 : vector<512x1xf32> to vector<1x512x1xf32>
    %reduce_sum3A_202 = arith.constant dense<0.000000e+00> : vector<1xf32>
    %reduce_sum3A_203 = vector.multi_reduction <add>, %reduce_sum3A_201, %reduce_sum3A_202 [1, 2] : vector<1x512x1xf32> to vector<1xf32>
    %reduce_sum3A_204 = vector.shape_cast %reduce_sum3A_203 : vector<1xf32> to vector<1x1x1xf32>
    %reduce_sum3A_205 = vector.extract %reduce_sum3A_204[0, 0, 0] : f32 from vector<1x1x1xf32>
    %add3A_206 = arith.addf %add3A_154, %reduce_sum3A_205 : f32
    %reduce_min3A_207 = arith.constant dense<0x7F800000> : vector<2048xf32>
    %reduce_min3A_208 = vector.multi_reduction <minimumf>, %bitcast_convert_type3A_185, %reduce_min3A_207 [0] : vector<512x2048xf32> to vector<2048xf32>
    %broadcast_in_dim3A_209 = vector.shape_cast %reduce_min3A_208 : vector<2048xf32> to vector<1x2048xf32>
    %min3A_210 = arith.minimumf %min3A_158, %broadcast_in_dim3A_209 : vector<1x2048xf32>
    %bitcast_convert_type3A_211 = tpu.bitcast %min3A_210 : vector<1x2048xf32> -> vector<1x2048xi32>
    %and3A_212 = arith.constant -2048 : i32
    %and3A_213 = vector.broadcast %and3A_212 : i32 to vector<1x2048xi32>
    %and3A_214 = arith.andi %bitcast_convert_type3A_211, %and3A_213 : vector<1x2048xi32>
    %sub3A_215 = arith.constant 8388608 : i32
    %sub3A_216 = vector.broadcast %sub3A_215 : i32 to vector<1x2048xi32>
    %sub3A_217 = arith.subi %and3A_214, %sub3A_216 : vector<1x2048xi32>
    %bitcast_convert_type3A_218 = tpu.bitcast %sub3A_217 : vector<1x2048xi32> -> vector<1x2048xf32>
    %mul3A_219 = arith.constant -1.000000e+03 : f32
    %mul3A_220 = vector.broadcast %mul3A_219 : f32 to vector<1x2048xf32>
    %mul3A_221 = arith.mulf %bitcast_convert_type3A_218, %mul3A_220 : vector<1x2048xf32>
    %exp3A_222 = math.exp %mul3A_221 : vector<1x2048xf32>
    %broadcast_in_dim3A_223 = vector.shape_cast %exp3A_222 : vector<1x2048xf32> to vector<1x1x2048xf32>
    %swap3A = arith.constant 0 : index
    %swap3A_224 = arith.constant 0 : index
    %swap3A_225 = arith.constant 0 : index
    %swap3A_226 = vector.load %arg4[%swap3A, %swap3A_224, %swap3A_225] : memref<1x1x2048xf32, #tpu.memory_space<vmem>>, vector<1x1x2048xf32>
    tpu.vector_store %arg4[%swap3A, %swap3A_224, %swap3A_225], %broadcast_in_dim3A_223 {strides = array<i32>} : memref<1x1x2048xf32, #tpu.memory_space<vmem>>, vector<1x1x2048xf32>,
    %and3A_227 = arith.constant 2047 : i32
    %and3A_228 = vector.broadcast %and3A_227 : i32 to vector<1x2048xi32>
    %and3A_229 = arith.andi %bitcast_convert_type3A_211, %and3A_228 : vector<1x2048xi32>
    %broadcast_in_dim3A_230 = vector.shape_cast %and3A_229 : vector<1x2048xi32> to vector<1x1x2048xi32>
    %swap3A_231 = arith.constant 0 : index
    %swap3A_232 = arith.constant 0 : index
    %swap3A_233 = arith.constant 0 : index
    %swap3A_234 = vector.load %arg5[%swap3A_231, %swap3A_232, %swap3A_233] : memref<1x1x2048xi32, #tpu.memory_space<vmem>>, vector<1x1x2048xi32>
    tpu.vector_store %arg5[%swap3A_231, %swap3A_232, %swap3A_233], %broadcast_in_dim3A_230 {strides = array<i32>} : memref<1x1x2048xi32, #tpu.memory_space<vmem>>, vector<1x1x2048xi32>,
    %div3A = arith.constant 2.048000e+03 : f32
    %div3A_235 = arith.divf %add3A_206, %div3A : f32
    %sub3A_236 = arith.constant 1.000000e+00 : f32
    %sub3A_237 = arith.subf %sub3A_236, %div3A_235 : f32
    %broadcast_in_dim3A_238 = vector.broadcast %sub3A_237 : f32 to vector<1x1x128xf32>
    %swap3A_239 = arith.constant 0 : index
    %swap3A_240 = arith.constant 0 : index
    %swap3A_241 = arith.constant 0 : index
    %swap3A_242 = vector.load %arg3[%swap3A_239, %swap3A_240, %swap3A_241] : memref<1x1x128xf32, #tpu.memory_space<vmem>>, vector<1x1x128xf32>
    tpu.vector_store %arg3[%swap3A_239, %swap3A_240, %swap3A_241], %broadcast_in_dim3A_238 {strides = array<i32>} : memref<1x1x128xf32, #tpu.memory_space<vmem>>, vector<1x1x128xf32>,
    return
  }
  func.func @transform_0(%arg0: i32) -> (i32, i32, i32) {
    %c0_i32 = arith.constant 0 : i32
    %c0_i32_0 = arith.constant 0 : i32
    %c0_i32_1 = arith.constant 0 : i32
    return %arg0, %c0_i32, %c0_i32_0 : i32, i32, i32
  }
  func.func @transform_1(%arg0: i32) -> (i32, i32, i32) {
    %c0_i32 = arith.constant 0 : i32
    %c0_i32_0 = arith.constant 0 : i32
    %c0_i32_1 = arith.constant 0 : i32
    return %arg0, %c0_i32, %c0_i32_0 : i32, i32, i32
  }
  func.func @transform_2(%arg0: i32) -> (i32, i32, i32) {
    %c0_i32 = arith.constant 0 : i32
    %c0_i32_0 = arith.constant 0 : i32
    %c0_i32_1 = arith.constant 0 : i32
    return %arg0, %c0_i32, %c0_i32_0 : i32, i32, i32
  }
  func.func @transform_3(%arg0: i32) -> (i32, i32, i32) {
    %c0_i32 = arith.constant 0 : i32
    %c0_i32_0 = arith.constant 0 : i32
    %c0_i32_1 = arith.constant 0 : i32
    return %arg0, %c0_i32, %c0_i32_0 : i32, i32, i32
  }
  func.func @transform_4(%arg0: i32) -> (i32, i32, i32) {
    %c0_i32 = arith.constant 0 : i32
    %c0_i32_0 = arith.constant 0 : i32
    %c0_i32_1 = arith.constant 0 : i32
    return %arg0, %c0_i32, %c0_i32_0 : i32, i32, i32
  }
}

</mosaic_0001>

<sc_bundles>
// kernel: kernel.4.cloned.1.call-start
scs
__scs_entry_jumppad:
0x0: {  	(pc) =	sbr.rel $0x88, $3  }
0x1: {  	(tag) =	ssettag $0x0;
	lr =	simm.s32 $0x1  }
0x2: {  	[smem:$0x3F9F] =	sst lr;
	_ =	strace $0xD0000000  }
0x3: {  	_ = 	snop  }
0x4: {  	_ = 	snop  }
0x5: {  	_ = 	snop  }
0x6: {  	_ = 	snop  }
0x7: {  	_ = 	snop  }
__scs_overlays_trampoline_lowered:
0x8: {  	[smem:$0x3FAE] =	sst s0  }
0x9: {  	[smem:$0x3FAF] =	sst s1  }
0xa: {  	[smem:$0x3FB0] =	sst s2  }
0xb: {  	[smem:$0x3FB1] =	sst s3  }
0xc: {  	[smem:$0x3FB2] =	sst s4  }
0xd: {  	[smem:$0x3FB3] =	sst s5  }
0xe: {  	[smem:$0x3FB4] =	sst s6  }
0xf: {  	[smem:$0x3FB5] =	sst s7  }
0x10: {  	[smem:$0x3FB6] =	sst s8  }
0x11: {  	[smem:$0x3FB7] =	sst s9;
	s0 =	simm.s32 @!p0 $0x0  }
0x12: {  	s1 =	sld [smem:$0x3F9D];
	s0 =	simm.s32 @p0 $0x1  }
0x13: {  	[smem:$0x3FB8] =	sst s0;
	s0 =	simm.s32 @!p1 $0x0  }
0x14: {  	s2 =	sld [smem:$0x3F9C];
	s0 =	simm.s32 @p1 $0x1  }
0x15: {  	[smem:$0x3FB9] =	sst s0;
	s0 =	simm.s32 @!p2 $0x0  }
0x16: {  	s3 =	sld [smem:$0x3FDB];
	s0 =	simm.s32 @p2 $0x1  }
0x17: {  	s4 =	simm.s32 $0x1BF5;
	[smem:$0x3FBB] =	sst s0  }
0x18: {  	s0 =	sld [smem:$0x3F9E];
	_ =	swait.ge [sflag:s4], $0x0  }
0x19: {  	s7 =	sld [smem:$0x3F9F]  }
0x1a: {  	s8 =	sadd.s32 $0xFFFFE003, lr  }
0x1b: {  	s9 =	sadd.s32 $0xFFFFFEF7, lr;
	s5 =	simm.s32 $0xFFFFFFFF;
	p2 =	slt.u32 s8, $0xFFFFF086  }
0x1c: {  	p1 =	slt.u32 s9, $0xF7A;
	s5 =	simm.s32 @!p2 $0x0  }
0x1d: {  	s5 =	simm.s32 @p1 $0x1;
	p0 =	seq.s32 s7, s2  }
0x1e: {  	s7 =	smul.u32 @!p0 $0xF7A, s2;
	p2 =	seq.s32 @!p0 s5, $0x0  }
0x1f: {  	s9 =	smul.u32 $0xF7A, s1;
	s8 =	simm.s32 @!p0 $0x1BF5;
	p2 =	por !p2, p0  }
0x20: {  	[sflag:s8] =	ssyncset.s32 @!p0 $0xFFFFF086;
	s6 =	sadd.s32 @!p0 s3, s7;
	s7 =	simm.s32 @!p0 $0x108  }
0x21: {  	s3 =	sadd.s32 s3, s9;
	s6 =	sadd.s32 @!p0 $0x88, s6;
	s7 =	simm.s32 @p2 $0x1082  }
0x22: {  	[simem:s7], [sflag:s8] =	dma.local @!p0 [hbm:s6], $0xF7A  }
0x23: {  	s9 =	sor.u32 $0xD0000000, s2;
	s6 =	simm.s32 $0x108;
	_ =	swait.ge @!p0 [sflag:s8], $0x0  }
0x24: {  	s3 =	sadd.s32 $0x88, s3;
	s6 =	simm.s32 @!p1 $0x1082;
	[sflag:s4] =	ssyncset.s32 $0xFFFFF086  }
0x25: {  	[simem:s6], [sflag:s4] =	dma.local [hbm:s3], $0xF7A  }
0x26: {  	[smem:$0x3F9F] =	sst s1;
	(tag) =	ssettag s2;
	_ =	strace s9  }
0x27: {  	s1 =	sld [smem:$0x3FAF]  }
0x28: {  	s2 =	sld [smem:$0x3FB0]  }
0x29: {  	s4 =	sld [smem:$0x3FB2]  }
0x2a: {  	p0 =	seq.s32 s5, $0x0;
	s5 =	sld [smem:$0x3FB3]  }
0x2b: {  	s6 =	sld [smem:$0x3FB4]  }
0x2c: {  	s7 =	sld [smem:$0x3FB5]  }
0x2d: {  	s3 =	simm.s32 $0x108;
	s8 =	sld [smem:$0x3FB6]  }
0x2e: {  	s3 =	simm.s32 @!p0 $0x1082;
	s9 =	sld [smem:$0x3FB7]  }
0x2f: {  	lr =	sadd.s32 s0, s3;
	s0 =	sld [smem:$0x3FAE]  }
0x30: {  	s3 =	sld [smem:$0x3FB1]  }
0x31: {  	[smem:$0x3FBA] =	sst s10  }
0x32: {  	s10 =	sld [smem:$0x3FB8];
	_ =	sdelay $0x3  }
0x33: {  	p0 =	seq.s32 s10, $0x1;
	s10 =	sld [smem:$0x3FBA];
	_ =	sdelay $0x3  }
0x34: {  	[smem:$0x3FBA] =	sst s10  }
0x35: {  	s10 =	sld [smem:$0x3FB9];
	_ =	sdelay $0x3  }
0x36: {  	p1 =	seq.s32 s10, $0x1;
	s10 =	sld [smem:$0x3FBA];
	_ =	sdelay $0x3  }
0x37: {  	[smem:$0x3FBA] =	sst s10  }
0x38: {  	s10 =	sld [smem:$0x3FBB]  }
0x39: {  	_ = 	snop;
	(pc) =	sbr.ind lr, $3  }
0x3a: {  	_ = 	snop  }
0x3b: {  	_ = 	snop  }
0x3c: {  	p2 =	seq.s32 s10, $0x1;
	s10 =	sld [smem:$0x3FBA]  }
0x3d: {  	_ =	shalt  }
0x3e: {  	_ =	shalt  }
0x3f: {  	_ =	shalt  }
0x40: {  	_ =	shalt  }
0x41: {  	_ =	shalt  }
0x42: {  	_ =	shalt  }
0x43: {  	_ =	shalt  }
0x44: {  	_ =	shalt  }
0x45: {  	_ =	shalt  }
0x46: {  	_ =	shalt  }
0x47: {  	_ =	shalt  }
0x48: {  	_ =	shalt  }
0x49: {  	_ =	shalt  }
0x4a: {  	_ =	shalt  }
0x4b: {  	_ =	shalt  }
0x4c: {  	_ =	shalt  }
0x4d: {  	_ =	shalt  }
0x4e: {  	_ =	shalt  }
0x4f: {  	_ =	shalt  }
0x50: {  	_ =	shalt  }
0x51: {  	_ =	shalt  }
0x52: {  	_ =	shalt  }
0x53: {  	_ =	shalt  }
0x54: {  	_ =	shalt  }
0x55: {  	_ =	shalt  }
0x56: {  	_ =	shalt  }
0x57: {  	_ =	shalt  }
0x58: {  	_ =	shalt  }
0x59: {  	_ =	shalt  }
0x5a: {  	_ =	shalt  }
0x5b: {  	_ =	shalt  }
0x5c: {  	_ =	shalt  }
0x5d: {  	_ =	shalt  }
0x5e: {  	_ =	shalt  }
0x5f: {  	_ =	shalt  }
0x60: {  	_ =	shalt  }
0x61: {  	_ =	shalt  }
0x62: {  	_ =	shalt  }
0x63: {  	_ =	shalt  }
0x64: {  	_ =	shalt  }
0x65: {  	_ =	shalt  }
0x66: {  	_ =	shalt  }
0x67: {  	_ =	shalt  }
0x68: {  	_ =	shalt  }
0x69: {  	_ =	shalt  }
0x6a: {  	_ =	shalt  }
0x6b: {  	_ =	shalt  }
0x6c: {  	_ =	shalt  }
0x6d: {  	_ =	shalt  }
0x6e: {  	_ =	shalt  }
0x6f: {  	_ =	shalt  }
0x70: {  	_ =	shalt  }
0x71: {  	_ =	shalt  }
0x72: {  	_ =	shalt  }
0x73: {  	_ =	shalt  }
0x74: {  	_ =	shalt  }
0x75: {  	_ =	shalt  }
0x76: {  	_ =	shalt  }
0x77: {  	_ =	shalt  }
0x78: {  	_ =	shalt  }
0x79: {  	_ =	shalt  }
0x7a: {  	_ =	shalt  }
0x7b: {  	_ =	shalt  }
0x7c: {  	_ =	shalt  }
0x7d: {  	_ =	shalt  }
0x7e: {  	_ =	shalt  }
0x7f: {  	_ =	shalt  }
0x80: {  	_ =	shalt  }
0x81: {  	_ =	shalt  }
0x82: {  	_ =	shalt  }
0x83: {  	_ =	shalt  }
0x84: {  	_ =	shalt  }
0x85: {  	_ =	shalt  }
0x86: {  	_ =	shalt  }
0x87: {  	_ =	shalt  }
.Lfunc_end0:
.L_simem_size_0:
called_computation_lowered:
.L_overlay_start_0:
0x88: {  	s2 =	sld [smem:$0x3FD9]  }
0x89: {  	s3 =	sld [smem:$0x3FFE];
	_ =	sdelay $0x1  }
0x8a: {  	s1 =	srdreg.scid  }
0x8b: {  	s0 =	sand.u32 $0x1, s1  }
0x8c: {  	s16 =	sshll.u32 s0, $0xA;
	s2 =	sadd.s32 s3, s2  }
0x8d: {  	s2 =	sadd.s32 s2, s16  }
0x8e: {  	[smem:$0x3FC6] =	sst s2  }
0x8f: {  	_ = 	snop  }
0x90: {  	(tm) =	ssettm $0x1  }
0x91: {  	s17 =	sld [smem:$0x3FFB];
	_ =	sdelay $0x3  }
0x92: {  	_ =	strace s17  }
0x93: {  	s2 =	sld [smem:$0x3FFC];
	_ =	sdelay $0x3  }
0x94: {  	_ =	strace s2  }
0x95: {  	s2 =	sld [smem:$0x3FFD];
	_ =	sdelay $0x3  }
0x96: {  	_ =	strace s2  }
0x97: {  	_ =	strace $0x8FFFFFFF  }
0x98: {  	s18 =	sld [smem:$0x3FDB];
	_ =	sdelay $0x1  }
0x99: {  	s19 =	simm.s32 $_scs_section_size  }
0x9a: {  	s4 =	simm.s32 $_size__tile_overlayer_lowered;
	s5 =	simm.s32 $_tile_overlayer_lowered  }
0x9b: {  	s22 =	simm.s32 $0x1BFF;
	s21 =	sshll.u32 s5, $0x1;
	s2 =	sadd.s32 s19, s18  }
0x9c: {  	s6 =	simm.s32 $0x0;
	s20 =	sshll.u32 s4, $0x1;
	s4 =	sadd.s32 s21, s2  }
0x9d: {  	[timem:s6], [sflag:s22] =	dma.local [hbm:s4], s20  }
0x9e: {  	_ =	swait.ge [sflag:s22], s20  }
0x9f: {  	s3 =	ssub.s32 $0x0, s20;
	[sflag:s22] =	ssyncset.done $0x0  }
0xa0: {  	[sflag:s22] =	ssyncadd.s32 s3;
	_ =	sdelay $0x1  }
0xa1: {  	s23 =	simm.s32 $0x1B8B  }
0xa2: {  	_ =	swait.ge [sflag:s23], $0x1  }
0xa3: {  	[sflag:s23] =	ssyncset.done $0x0  }
0xa4: {  	s25 =	simm.s32 $0x1B8E;
	s24 =	sld [smem:$0x3FFE];
	[sflag:s23] =	ssyncadd.s32 $0xFFFFFFFF  }
0xa5: {  	s26 =	simm.s32 $execute0_lowered;
	[smem:$0x3FD2] =	sst s25  }
0xa6: {  	s4 =	sshll.u32 s26, $0x1;
	_ =	strace $0x80000046;
	[dreg:$0x1] =	wrdreg $0xFFFFFFFF  }
0xa7: {  	s28 =	simm.s32 $_size_execute0_lowered;
	s2 =	sadd.s32 s2, s4;
	[dreg:$0x0] =	wrdreg $0x0  }
0xa8: {  	s4 =	sshll.u32 s28, $0x1;
	[dreg:$0x2] =	wrdreg s2  }
0xa9: {  	[dreg:$0x3] =	wrdreg s4  }
0xaa: {  	[dreg:$0x4] =	wrdreg $0xC0  }
0xab: {  	_ =	task [dreg:s6], $0x5FFFF  }
0xac: {  	[dreg:$0x1] =	wrdreg $0xFFFFFFFF  }
0xad: {  	[dreg:$0x0] =	wrdreg $0x60  }
0xae: {  	[dreg:$0x2] =	wrdreg s24  }
0xaf: {  	[dreg:$0x3] =	wrdreg $0x9000  }
0xb0: {  	[dreg:$0x4] =	wrdreg $0x9  }
0xb1: {  	_ =	task.clear_ibuf [dreg:s6], $0x5FFFF;
	_ =	strace $0x90000046  }
0xb2: {  	s29 =	simm.s32 $0x9;
	_ =	strace $0x80000048  }
0xb3: {  	_ =	swait.ge [sflag:s29], $0x1  }
0xb4: {  	[sflag:s29] =	ssyncadd.s32 $0xFFFFFFFF  }
0xb5: {  	_ =	strace $0x90000048  }
0xb6: {  	_ =	sfence  }
0xb7: {  	s30 =	sld [smem:$0x0];
	_ =	sdelay $0x2  }
0xb8: {  	s31 =	sshll.u32 s1, $0xD;
	s1 =	sshrl.u32 s1, $0x2  }
0xb9: {  	s3 =	sand.u32 $0x4000, s31;
	s1 =	sadd.s32 s1, s30  }
0xba: {  	s0 =	sor.u32 s3, s0;
	s1 =	sshll.u32 s1, $0x11  }
0xbb: {  	s0 =	sor.u32 s1, s0  }
0xbc: {  	s0 =	sadd.s32 $0x8F2B, s0  }
0xbd: {  	[sflag:s0] =	ssyncadd.remote.s32 $0x1  }
0xbe: {  	_ =	sfence.sel $0xFFFF  }
0xbf: {  	[dreg:$0x0] =	wrdreg $0xFFFFFFFF;
	(pc) =	sbr.abs _section_cstart, $3  }
0xc0: {  	[dreg:$0x1] =	wrdreg $0xFFFFFFFF  }
0xc1: {  	_ =	task.clear_ibuf [dreg:s6], $0x2FFFF;
	_ =	strace $0x9FFFFFFF  }
0xc2: {  	(tm) =	ssettm $0x7FFFFFFF  }
0xc3: {  	_ =	shalt  }
tec
execute0_lowered:
.L_overlay_start_1:
0x0: {  	(tag) =	ssettag $0x1  }
0x1: {  	s4 =	rddreg [dreg:$0x0]  }
0x2: {  	s2 =	rddreg [dreg:$0x1]  }
0x3: {  	s1 =	stileid.u32;
	s3 =	srdreg.scid  }
0x4: {  	s0 =	rddreg [dreg:$0x2];
	s11 =	simm.s32 $0x680;
	s12 =	simm.s32 $0x80  }
0x5: {  	s13 =	simm.s32 $0x600;
	s14 =	simm.s32 $0x100;
	s15 =	simm.s32 $0x180  }
0x6: {  	s16 =	simm.s32 $0x400;
	s17 =	simm.s32 $0x480;
	s19 =	simm.s32 $0x580  }
0x7: {  	s20 =	simm.s32 $0x880;
	s5 =	sand.u32 $0x1, s3;
	s6 =	sshll.u32 s1, $0x9  }
0x8: {  	s3 =	simm.s32 $0x0;
	s30 =	sshll.u32 s1, $0x4;
	s7 =	sshll.u32 s5, $0xD  }
0x9: {  	s8 =	sand.u32 $0x600, s6;
	[smem:$0x7FF] =	sst s3;
	s18 =	sand.u32 $0x1800, s6  }
0xa: {  	s9 =	ssub.s32 $0x2, s5;
	s31 =	sshll.u32 s5, $0x8;
	s6 =	sadd.s32 s6, s2  }
0xb: {  	s7 =	sor.u32 s7, s8;
	_ =	strace $0x80000047;
	s10 =	sshrl.u32 s9, $0x1  }
0xc: {  	s8 =	sadd.s32 s30, s4;
	s7 =	sor.u32 s18, s7;
	s9 =	ssub.s32 s9, s10  }
0xd: {  	v0 =	vmov s18;
	s10 =	simm.s32 $0x200;
	s18 =	simm.s32 $0x500;
	s7 =	sshrl.u32 s7, $0x3  }
0xe: {  	s4 =	sadd.s32 s4, s7;
	s7 =	sadd.s32 s31, s8;
	s8 =	smax.u32 s9, $0x1  }
0xf: {  	v1 =	vimm.f32 $1.000000000e+00;
	v2 =	vimm.f32 $0.0e+00;
	s9 =	simm.s32 $0x1;
	s5 =	sadd.s32 $0x800, s4;
	s7 =	sadd.s32 $0x1000, s7  }
.LBB2_1:
0x10: {  	[tilespmem:s3], [sflag:$0x1] =	stream.linear.gather [hbm4b:s4+s3], $0x200, $0x38;
	[tilespmem:$0xB00] =	vst v63  }
0x11: {  	_ =	swait.ge [sflag:s9], $0x200  }
0x12: {  	[sflag:s9] =	ssyncset.done $0x0  }
0x13: {  	[sflag:s9] =	ssyncadd.s32 $0xFFFFFE00  }
0x14: {  	[tilespmem:s10], [sflag:$0x1] =	stream.linear.gather [hbm4b:s5+s3], $0x200, $0x38;
	[tilespmem:$0xB00] =	vst v63  }
0x15: {  	_ =	swait.ge [sflag:s9], $0x200  }
0x16: {  	[sflag:s9] =	ssyncset.done $0x0  }
0x17: {  	[sflag:s9] =	ssyncadd.s32 $0xFFFFFE00  }
0x18: {  	[tilespmem:$0x600] =	vst v1  }
0x19: {  	[tilespmem:$0x610] =	vst v1  }
0x1a: {  	[tilespmem:$0x620] =	vst v1  }
0x1b: {  	[tilespmem:$0x630] =	vst v1  }
0x1c: {  	[tilespmem:$0x640] =	vst v1  }
0x1d: {  	[tilespmem:$0x650] =	vst v1  }
0x1e: {  	[tilespmem:$0x660] =	vst v1  }
0x1f: {  	[tilespmem:$0x670] =	vst v1  }
0x20: {  	[tilespmem:$0x680] =	vst v2  }
0x21: {  	[tilespmem:$0x690] =	vst v2  }
0x22: {  	[tilespmem:$0x6A0] =	vst v2  }
0x23: {  	[tilespmem:$0x6B0] =	vst v2  }
0x24: {  	[tilespmem:$0x6C0] =	vst v2  }
0x25: {  	[tilespmem:$0x6D0] =	vst v2  }
0x26: {  	[tilespmem:$0x6E0] =	vst v2  }
0x27: {  	[tilespmem:$0x6F0] =	vst v2  }
0x28: {  	[tilespmem:$0x700] =	vst v2  }
0x29: {  	[tilespmem:$0x710] =	vst v2  }
0x2a: {  	[tilespmem:$0x720] =	vst v2  }
0x2b: {  	[tilespmem:$0x730] =	vst v2  }
0x2c: {  	[tilespmem:$0x740] =	vst v2  }
0x2d: {  	[tilespmem:$0x750] =	vst v2  }
0x2e: {  	[tilespmem:$0x760] =	vst v2  }
0x2f: {  	[tilespmem:$0x770] =	vst v2  }
0x30: {  	[tilespmem:$0x780] =	vst v2  }
0x31: {  	[tilespmem:$0x790] =	vst v2  }
0x32: {  	[tilespmem:$0x7A0] =	vst v2  }
0x33: {  	[tilespmem:$0x7B0] =	vst v2  }
0x34: {  	[tilespmem:$0x7C0] =	vst v2  }
0x35: {  	[tilespmem:$0x7D0] =	vst v2  }
0x36: {  	[tilespmem:$0x7E0] =	vst v2  }
0x37: {  	[tilespmem:$0x7F0] =	vst v2  }
0x38: {  	[tilespmem:$0x800] =	vst v2  }
0x39: {  	[tilespmem:$0x810] =	vst v2  }
0x3a: {  	[tilespmem:$0x820] =	vst v2;
	v3 =	vld [tilespmem:$0x0]  }
0x3b: {  	[tilespmem:$0x830] =	vst v2;
	v4 =	vld [tilespmem:$0x10]  }
0x3c: {  	[tilespmem:$0x840] =	vst v2;
	v5 =	vld [tilespmem:$0x20]  }
0x3d: {  	[tilespmem:$0x850] =	vst v2;
	v6 =	vld [tilespmem:$0x30]  }
0x3e: {  	[tilespmem:$0x860] =	vst v2;
	v7 =	vld [tilespmem:$0x40]  }
0x3f: {  	[tilespmem:$0x870] =	vst v2;
	v8 =	vld [tilespmem:$0x50];
	v3 =	vadd.s32 v0, v3  }
0x40: {  	v12 =	vld [tilespmem:$0x60];
	[tilespmem:$0x0] =	vst v3;
	v3 =	vadd.s32 v0, v4  }
0x41: {  	v13 =	vld [tilespmem:$0x70];
	[tilespmem:$0x10] =	vst v3;
	v3 =	vadd.s32 v0, v5  }
0x42: {  	v14 =	vld [tilespmem:$0x80];
	[tilespmem:$0x20] =	vst v3;
	v3 =	vadd.s32 v0, v6  }
0x43: {  	v15 =	vld [tilespmem:$0x90];
	[tilespmem:$0x30] =	vst v3;
	v3 =	vadd.s32 v0, v7  }
0x44: {  	v16 =	vld [tilespmem:$0xA0];
	[tilespmem:$0x40] =	vst v3;
	v3 =	vadd.s32 v0, v8  }
0x45: {  	v17 =	vld [tilespmem:$0xB0];
	[tilespmem:$0x50] =	vst v3;
	v3 =	vadd.s32 v0, v12  }
0x46: {  	v18 =	vld [tilespmem:$0xC0];
	[tilespmem:$0x60] =	vst v3;
	v3 =	vadd.s32 v0, v13  }
0x47: {  	v19 =	vld [tilespmem:$0xD0];
	[tilespmem:$0x70] =	vst v3;
	v3 =	vadd.s32 v0, v14  }
0x48: {  	v20 =	vld [tilespmem:$0xE0];
	[tilespmem:$0x80] =	vst v3;
	v3 =	vadd.s32 v0, v15  }
0x49: {  	v21 =	vld [tilespmem:$0xF0];
	[tilespmem:$0x90] =	vst v3;
	v3 =	vadd.s32 v0, v16  }
0x4a: {  	v22 =	vld [tilespmem:$0x100];
	[tilespmem:$0xA0] =	vst v3;
	v3 =	vadd.s32 v0, v17  }
0x4b: {  	v23 =	vld [tilespmem:$0x110];
	[tilespmem:$0xB0] =	vst v3;
	v3 =	vadd.s32 v0, v18  }
0x4c: {  	v24 =	vld [tilespmem:$0x120];
	[tilespmem:$0xC0] =	vst v3;
	v3 =	vadd.s32 v0, v19  }
0x4d: {  	v25 =	vld [tilespmem:$0x130];
	[tilespmem:$0xD0] =	vst v3;
	v3 =	vadd.s32 v0, v20  }
0x4e: {  	v26 =	vld [tilespmem:$0x140];
	[tilespmem:$0xE0] =	vst v3;
	v3 =	vadd.s32 v0, v21  }
0x4f: {  	v27 =	vld [tilespmem:$0x150];
	[tilespmem:$0xF0] =	vst v3;
	v3 =	vadd.s32 v0, v22  }
0x50: {  	v28 =	vld [tilespmem:$0x160];
	[tilespmem:$0x100] =	vst v3;
	v3 =	vadd.s32 v0, v23  }
0x51: {  	v29 =	vld [tilespmem:$0x170];
	[tilespmem:$0x110] =	vst v3;
	v3 =	vadd.s32 v0, v24  }
0x52: {  	v30 =	vld [tilespmem:$0x180];
	[tilespmem:$0x120] =	vst v3;
	v3 =	vadd.s32 v0, v25  }
0x53: {  	v31 =	vld [tilespmem:$0x190];
	[tilespmem:$0x130] =	vst v3;
	v3 =	vadd.s32 v0, v26  }
0x54: {  	v32 =	vld [tilespmem:$0x1A0];
	[tilespmem:$0x140] =	vst v3;
	v3 =	vadd.s32 v0, v27  }
0x55: {  	v33 =	vld [tilespmem:$0x1B0];
	[tilespmem:$0x150] =	vst v3;
	v3 =	vadd.s32 v0, v28  }
0x56: {  	v34 =	vld [tilespmem:$0x1C0];
	[tilespmem:$0x160] =	vst v3;
	v3 =	vadd.s32 v0, v29  }
0x57: {  	v35 =	vld [tilespmem:$0x1D0];
	[tilespmem:$0x170] =	vst v3;
	v3 =	vadd.s32 v0, v30  }
0x58: {  	v36 =	vld [tilespmem:$0x1E0];
	[tilespmem:$0x180] =	vst v3;
	v3 =	vadd.s32 v0, v31  }
0x59: {  	v37 =	vld [tilespmem:$0x1F0];
	[tilespmem:$0x190] =	vst v3;
	v3 =	vadd.s32 v0, v32  }
0x5a: {  	[tilespmem:$0x1A0] =	vst v3;
	v3 =	vadd.s32 v0, v33  }
0x5b: {  	[tilespmem:$0x1B0] =	vst v3;
	v3 =	vadd.s32 v0, v34  }
0x5c: {  	[tilespmem:$0x1C0] =	vst v3;
	v3 =	vadd.s32 v0, v35  }
0x5d: {  	[tilespmem:$0x1D0] =	vst v3;
	v3 =	vadd.s32 v0, v36  }
0x5e: {  	[tilespmem:$0x1E0] =	vst v3;
	v3 =	vadd.s32 v0, v37  }
0x5f: {  	[tilespmem:$0x1F0] =	vst v3  }
0x60: {  	[spmem:s6] =	stream.linear.scatter [tilespmem:s11], [sflag:$0x1], $0x200, $0x38;
	[tilespmem:$0xB00] =	vst v63  }
0x61: {  	_ =	swait.ge [sflag:s9], $0x200  }
0x62: {  	[sflag:s9] =	ssyncset.done $0x0  }
0x63: {  	[sflag:s9] =	ssyncadd.s32 $0xFFFFFE00  }
0x64: {  	[bflag:$0x0] =	sbarrier.arrive $0xFFFF  }
0x65: {  	[spmem:s2] =	stream.indirect.scatter.add.f32 [tilespmem:s13], [sflag:$0x1], $0x1, s3, s12, $0xb8;
	[tilespmem:$0xB00] =	vst v63  }
0x66: {  	_ =	swait.ge [sflag:s9], $0x80  }
0x67: {  	[sflag:s9] =	ssyncset.done $0x0  }
0x68: {  	[sflag:s9] =	ssyncadd.s32 $0xFFFFFF80  }
0x69: {  	[spmem:s2] =	stream.indirect.scatter.add.f32 [tilespmem:s13], [sflag:$0x1], $0x1, s12, s12, $0xb8;
	[tilespmem:$0xB00] =	vst v63  }
0x6a: {  	_ =	swait.ge [sflag:s9], $0x80  }
0x6b: {  	[sflag:s9] =	ssyncset.done $0x0  }
0x6c: {  	[sflag:s9] =	ssyncadd.s32 $0xFFFFFF80  }
0x6d: {  	[spmem:s2] =	stream.indirect.scatter.add.f32 [tilespmem:s13], [sflag:$0x1], $0x1, s14, s12, $0xb8;
	[tilespmem:$0xB00] =	vst v63  }
0x6e: {  	_ =	swait.ge [sflag:s9], $0x80  }
0x6f: {  	[sflag:s9] =	ssyncset.done $0x0  }
0x70: {  	[sflag:s9] =	ssyncadd.s32 $0xFFFFFF80  }
0x71: {  	[spmem:s2] =	stream.indirect.scatter.add.f32 [tilespmem:s13], [sflag:$0x1], $0x1, s15, s12, $0xb8;
	[tilespmem:$0xB00] =	vst v63  }
0x72: {  	_ =	swait.ge [sflag:s9], $0x80  }
0x73: {  	[sflag:s9] =	ssyncset.done $0x0  }
0x74: {  	[sflag:s9] =	ssyncadd.s32 $0xFFFFFF80  }
0x75: {  	[bflag:$0x0] =	sbarrier.arrive $0xFFFF  }
0x76: {  	[tilespmem:s16], [sflag:$0x1] =	stream.indirect.gather [spmem:s2], $0x1, s3, s12, $0xb8;
	[tilespmem:$0xB00] =	vst v63  }
0x77: {  	_ =	swait.ge [sflag:s9], $0x80  }
0x78: {  	[sflag:s9] =	ssyncset.done $0x0  }
0x79: {  	[sflag:s9] =	ssyncadd.s32 $0xFFFFFF80  }
0x7a: {  	[tilespmem:s17], [sflag:$0x1] =	stream.indirect.gather [spmem:s2], $0x1, s12, s12, $0xb8;
	[tilespmem:$0xB00] =	vst v63  }
0x7b: {  	_ =	swait.ge [sflag:s9], $0x80  }
0x7c: {  	[sflag:s9] =	ssyncset.done $0x0  }
0x7d: {  	[sflag:s9] =	ssyncadd.s32 $0xFFFFFF80  }
0x7e: {  	[tilespmem:s18], [sflag:$0x1] =	stream.indirect.gather [spmem:s2], $0x1, s14, s12, $0xb8;
	[tilespmem:$0xB00] =	vst v63  }
0x7f: {  	_ =	swait.ge [sflag:s9], $0x80  }
0x80: {  	[sflag:s9] =	ssyncset.done $0x0  }
0x81: {  	[sflag:s9] =	ssyncadd.s32 $0xFFFFFF80  }
0x82: {  	[tilespmem:s19], [sflag:$0x1] =	stream.indirect.gather [spmem:s2], $0x1, s15, s12, $0xb8;
	[tilespmem:$0xB00] =	vst v63  }
0x83: {  	_ =	swait.ge [sflag:s9], $0x80  }
0x84: {  	[sflag:s9] =	ssyncset.done $0x0  }
0x85: {  	[sflag:s9] =	ssyncadd.s32 $0xFFFFFF80  }
0x86: {  	v3 =	vld [tilespmem:$0x400];
	_ =	sdelay $0x1  }
0x87: {  	v38 =	vld [tilespmem:$0x410];
	_ =	sdelay $0x1  }
0x88: {  	v39 =	vld [tilespmem:$0x420]  }
0x89: {  	v3 =	vadd.f32 $9.999999970e-07, v3  }
0x8a: {  	v40 =	vld [tilespmem:$0x430]  }
0x8b: {  	(erf) = vrcp.f32 v3;
	v3 =	vadd.f32 $9.999999970e-07, v38;
	_ =	sdelay $0x1  }
0x8c: {  	v41 =	vld [tilespmem:$0x440];
	(erf) = vrcp.f32 v3;
	v3 =	vadd.f32 $9.999999970e-07, v39;
	_ =	sdelay $0x1  }
0x8d: {  	v42 =	vld [tilespmem:$0x450];
	(erf) = vrcp.f32 v3;
	v3 =	vadd.f32 $9.999999970e-07, v40  }
0x8e: {  	v43 =	vld [tilespmem:$0x200]  }
0x8f: {  	(erf) = vrcp.f32 v3;
	v3 =	vld [tilespmem:$0x460]  }
0x90: {  	v45 =	vld [tilespmem:$0x470];
	v4 =	vadd.f32 $9.999999970e-07, v41  }
0x91: {  	v44 =	vld [tilespmem:$0x210]  }
0x92: {  	v48 =	vld [tilespmem:$0x480];
	v46 =	vadd.f32 $9.999999970e-07, v42;
	v9 =	vpop (erf);
	(erf) = vrcp.f32 v4  }
0x93: {  	v10 =	vld [tilespmem:$0x220]  }
0x94: {  	v52 =	vld [tilespmem:$0x490];
	v47 =	vmul.f32 v9, v43;
	v49 =	vpop (erf);
	(erf) = vrcp.f32 v46;
	v3 =	vadd.f32 $9.999999970e-07, v3  }
0x95: {  	v11 =	vld [tilespmem:$0x230];
	v8 =	vadd.f32 $9.999999970e-07, v45  }
0x96: {  	v55 =	vld [tilespmem:$0x4A0];
	v50 =	vadd.f32 $0.0e+00, v47;
	v51 =	vmul.f32 v49, v44;
	v53 =	vpop (erf);
	(erf) = vrcp.f32 v3  }
0x97: {  	v6 =	vadd.f32 $9.999999970e-07, v48;
	v3 =	vld [tilespmem:$0x240]  }
0x98: {  	v58 =	vld [tilespmem:$0x250];
	v4 =	vadd.f32 v51, v50;
	v54 =	vmul.f32 v53, v10;
	v56 =	vpop (erf);
	(erf) = vrcp.f32 v8  }
0x99: {  	v60 =	vld [tilespmem:$0x4B0];
	v59 =	vadd.f32 $9.999999970e-07, v52  }
0x9a: {  	v12 =	vld [tilespmem:$0x4C0];
	v4 =	vadd.f32 v54, v4;
	v57 =	vmul.f32 v56, v11;
	(erf) = vrcp.f32 v6  }
0x9b: {  	v62 =	vld [tilespmem:$0x260];
	v63 =	vadd.f32 $9.999999970e-07, v55;
	v61 =	vpop (erf);
	(erf) = vrcp.f32 v59  }
0x9c: {  	v16 =	vld [tilespmem:$0x4D0];
	v4 =	vadd.f32 v57, v4;
	v3 =	vmul.f32 v61, v3  }
0x9d: {  	v14 =	vld [tilespmem:$0x270];
	v13 =	vpop (erf);
	(erf) = vrcp.f32 v63  }
0x9e: {  	v20 =	vld [tilespmem:$0x4E0];
	v7 =	vadd.f32 $9.999999970e-07, v60;
	v3 =	vadd.f32 v3, v4;
	v15 =	vmul.f32 v13, v58  }
0x9f: {  	v18 =	vld [tilespmem:$0x280];
	v6 =	vadd.f32 $9.999999970e-07, v12;
	v17 =	vpop (erf)  }
0xa0: {  	v24 =	vld [tilespmem:$0x4F0];
	(erf) = vrcp.f32 v7;
	v3 =	vadd.f32 v15, v3;
	v19 =	vmul.f32 v17, v62  }
0xa1: {  	v22 =	vld [tilespmem:$0x290];
	v5 =	vadd.f32 $9.999999970e-07, v16;
	v21 =	vpop (erf)  }
0xa2: {  	v28 =	vld [tilespmem:$0x500];
	(erf) = vrcp.f32 v6;
	v3 =	vadd.f32 v19, v3;
	v23 =	vmul.f32 v21, v14  }
0xa3: {  	v26 =	vld [tilespmem:$0x2A0];
	v8 =	vadd.f32 $9.999999970e-07, v20;
	v25 =	vpop (erf)  }
0xa4: {  	v32 =	vld [tilespmem:$0x510];
	v27 =	vmul.f32 v25, v18;
	v3 =	vadd.f32 v23, v3;
	v29 =	vpop (erf);
	(erf) = vrcp.f32 v5  }
0xa5: {  	v30 =	vld [tilespmem:$0x2B0];
	v34 =	vadd.f32 $9.999999970e-07, v24  }
0xa6: {  	v36 =	vld [tilespmem:$0x2C0];
	v31 =	vmul.f32 v29, v22;
	v3 =	vadd.f32 v27, v3;
	v33 =	vpop (erf);
	(erf) = vrcp.f32 v8  }
0xa7: {  	v37 =	vadd.f32 $9.999999970e-07, v28;
	v38 =	vld [tilespmem:$0x520]  }
0xa8: {  	v42 =	vld [tilespmem:$0x530];
	v35 =	vmul.f32 v33, v26;
	(erf) = vrcp.f32 v34;
	v3 =	vadd.f32 v31, v3  }
0xa9: {  	v41 =	vadd.f32 $9.999999970e-07, v32;
	v40 =	vld [tilespmem:$0x2D0];
	v39 =	vpop (erf);
	(erf) = vrcp.f32 v37  }
0xaa: {  	v46 =	vld [tilespmem:$0x540];
	v4 =	vmul.f32 v39, v30;
	v3 =	vadd.f32 v35, v3  }
0xab: {  	v44 =	vld [tilespmem:$0x2E0];
	v43 =	vpop (erf);
	(erf) = vrcp.f32 v41  }
0xac: {  	v9 =	vadd.f32 $9.999999970e-07, v38;
	v50 =	vld [tilespmem:$0x550];
	v45 =	vmul.f32 v43, v36;
	v3 =	vadd.f32 v4, v3  }
0xad: {  	v48 =	vld [tilespmem:$0x2F0];
	v7 =	vadd.f32 $9.999999970e-07, v42;
	v47 =	vpop (erf)  }
0xae: {  	v54 =	vld [tilespmem:$0x560];
	(erf) = vrcp.f32 v9;
	v3 =	vadd.f32 v45, v3;
	v49 =	vmul.f32 v47, v40  }
0xaf: {  	v52 =	vld [tilespmem:$0x300];
	v5 =	vadd.f32 $9.999999970e-07, v46;
	v51 =	vpop (erf)  }
0xb0: {  	v58 =	vld [tilespmem:$0x570];
	(erf) = vrcp.f32 v7;
	v3 =	vadd.f32 v49, v3;
	v53 =	vmul.f32 v51, v44  }
0xb1: {  	v56 =	vld [tilespmem:$0x310];
	v6 =	vadd.f32 $9.999999970e-07, v50;
	v55 =	vpop (erf)  }
0xb2: {  	v60 =	vld [tilespmem:$0x320];
	v57 =	vmul.f32 v55, v48;
	v59 =	vpop (erf);
	(erf) = vrcp.f32 v5;
	v3 =	vadd.f32 v53, v3  }
0xb3: {  	v12 =	vadd.f32 $9.999999970e-07, v54;
	v62 =	vld [tilespmem:$0x580]  }
0xb4: {  	v16 =	vld [tilespmem:$0x590];
	v61 =	vmul.f32 v59, v52;
	v63 =	vpop (erf);
	(erf) = vrcp.f32 v6;
	v3 =	vadd.f32 v57, v3  }
0xb5: {  	v14 =	vld [tilespmem:$0x330];
	v15 =	vadd.f32 $9.999999970e-07, v58  }
0xb6: {  	v20 =	vld [tilespmem:$0x5A0];
	v13 =	vmul.f32 v63, v56;
	(erf) = vrcp.f32 v12;
	v3 =	vadd.f32 v61, v3  }
0xb7: {  	v18 =	vld [tilespmem:$0x340];
	v17 =	vpop (erf);
	(erf) = vrcp.f32 v15  }
0xb8: {  	v24 =	vld [tilespmem:$0x5B0];
	v19 =	vadd.f32 $9.999999970e-07, v62;
	v4 =	vmul.f32 v17, v60;
	v3 =	vadd.f32 v13, v3  }
0xb9: {  	v22 =	vld [tilespmem:$0x350];
	v8 =	vadd.f32 $9.999999970e-07, v16;
	v21 =	vpop (erf)  }
0xba: {  	v28 =	vld [tilespmem:$0x5C0];
	(erf) = vrcp.f32 v19;
	v23 =	vmul.f32 v21, v14;
	v3 =	vadd.f32 v4, v3  }
0xbb: {  	v26 =	vld [tilespmem:$0x360];
	v6 =	vadd.f32 $9.999999970e-07, v20;
	v25 =	vpop (erf)  }
0xbc: {  	v32 =	vld [tilespmem:$0x5D0];
	(erf) = vrcp.f32 v8;
	v27 =	vmul.f32 v25, v18;
	v3 =	vadd.f32 v23, v3  }
0xbd: {  	v30 =	vld [tilespmem:$0x370];
	v5 =	vadd.f32 $9.999999970e-07, v24;
	v29 =	vpop (erf)  }
0xbe: {  	v36 =	vld [tilespmem:$0x5E0];
	(erf) = vrcp.f32 v6;
	v31 =	vmul.f32 v29, v22;
	v3 =	vadd.f32 v27, v3  }
0xbf: {  	v34 =	vld [tilespmem:$0x380];
	v7 =	vadd.f32 $9.999999970e-07, v28;
	v33 =	vpop (erf)  }
0xc0: {  	v40 =	vld [tilespmem:$0x5F0];
	v35 =	vmul.f32 v33, v26;
	v37 =	vpop (erf);
	(erf) = vrcp.f32 v5;
	v3 =	vadd.f32 v31, v3  }
0xc1: {  	v38 =	vld [tilespmem:$0x390];
	v10 =	vadd.f32 $9.999999970e-07, v32  }
0xc2: {  	v39 =	vmul.f32 v37, v30;
	(erf) = vrcp.f32 v7;
	v3 =	vadd.f32 v35, v3  }
0xc3: {  	v43 =	vld [tilespmem:$0x3A0];
	v44 =	vadd.f32 $9.999999970e-07, v36;
	v41 =	vpop (erf)  }
0xc4: {  	(erf) = vrcp.f32 v10;
	v42 =	vmul.f32 v41, v34;
	v3 =	vadd.f32 v39, v3  }
0xc5: {  	v46 =	vld [tilespmem:$0x3B0];
	v47 =	vadd.f32 $9.999999970e-07, v40;
	v45 =	vpop (erf)  }
0xc6: {  	(erf) = vrcp.f32 v44;
	v4 =	vmul.f32 v45, v38;
	v3 =	vadd.f32 v42, v3  }
0xc7: {  	v49 =	vld [tilespmem:$0x3C0];
	v48 =	vpop (erf)  }
0xc8: {  	(erf) = vrcp.f32 v47;
	v50 =	vmul.f32 v48, v43;
	v3 =	vadd.f32 v4, v3  }
0xc9: {  	v52 =	vld [tilespmem:$0x3D0];
	v51 =	vpop (erf)  }
0xca: {  	v53 =	vmul.f32 v51, v46;
	v3 =	vadd.f32 v50, v3  }
0xcb: {  	v55 =	vld [tilespmem:$0x3E0];
	v54 =	vpop (erf)  }
0xcc: {  	v56 =	vmul.f32 v54, v49;
	v3 =	vadd.f32 v53, v3  }
0xcd: {  	v58 =	vld [tilespmem:$0x3F0];
	v57 =	vpop (erf)  }
0xce: {  	v59 =	vmul.f32 v57, v52;
	v3 =	vadd.f32 v56, v3  }
0xcf: {  	v60 =	vpop (erf)  }
0xd0: {  	v61 =	vmul.f32 v60, v55;
	v3 =	vadd.f32 v59, v3  }
0xd1: {  	v62 =	vpop (erf)  }
0xd2: {  	v63 =	vmul.f32 v62, v58;
	v3 =	vadd.f32 v61, v3;
	_ =	sdelay $0x1  }
0xd3: {  	v3 =	vadd.f32 v63, v3  }
0xd4: {  	p0 =	sne.s32 s8, $0x1  }
.Ltmp0:
0xd5: {  	[tilespmem:$0x880] =	vst v3;
	(pc) =	sbr.rel @p0 .LBB2_1-.Ltmp0, $4  }
0xd6: {  	[hbm4b:s7+s3] =	stream.linear.scatter [tilespmem:s20], [sflag:$0x1], $0x80, $0x38;
	[tilespmem:$0xB00] =	vst v63  }
0xd7: {  	_ =	swait.ge [sflag:s9], $0x80  }
0xd8: {  	[sflag:s9] =	ssyncset.done $0x0  }
0xd9: {  	s8 =	sadd.s32 $0xFFFFFFFF, s8;
	[sflag:s9] =	ssyncadd.s32 $0xFFFFFF80  }
0xda: {  	_ =	sfence.sel $0x180000  }
0xdb: {  	[bflag:$0x0] =	sbarrier.arrive $0xFFFF  }
0xdc: {  	p0 =	sne.s32 s1, $0x0;
	_ =	strace $0x90000047  }
0xdd: {  	s0 =	sadd.s32 @!p0 $0x100000, s0;
	[bflag:$0x2] =	sbarrier.arrive $0xFFFF  }
0xde: {  	[sflag:s0] =	ssyncadd.tile.s32 @!p0 $0x1;
	_ =	shalt  }
.Lfunc_end2:
_tile_overlayer_lowered:
.L_overlay_start_2:
0xdf: {  	(tag) =	ssettag $0x2  }
0xe0: {  	s0 =	rddreg [dreg:$0x0];
	s2 =	stileid.u32  }
0xe1: {  	s1 =	rddreg [dreg:$0x1];
	p0 =	sne.s32 s2, $0x0  }
0xe2: {  	s3 =	rddreg [dreg:$0x2];
	[bflag:$0x3] =	sbarrier.arrive $0xFFFF;
	s2 =	simm.s32 @!p0 $0x1C01  }
0xe3: {  	[timem:s3], [sflag:s2] =	dma.local @!p0 [hbm:s0], s1  }
0xe4: {  	s0 =	simm.s32 @!p0 $0x1  }
0xe5: {  	_ =	swait.ge @!p0 [sflag:s0], s1  }
0xe6: {  	s1 =	ssub.s32 @!p0 $0x0, s1;
	[sflag:s0] =	ssyncset.done @!p0 $0x0  }
0xe7: {  	[sflag:s0] =	ssyncadd.s32 @!p0 s1  }
0xe8: {  	[bflag:$0x3] =	sbarrier.arrive $0xFFFF  }
0xe9: {  	_ =	shalt  }

</sc_bundles>
